<compile_context>
chip_gen: v7x
topology: tpu7x:2x2x1
jax: 0.10.2.dev20260603
libtpu: 0.0.44.dev20260713+nightly
codegen_flags: <defaults>
</compile_context>

<pallas_src>
import functools
import math

import jax
import jax.numpy as jnp
from jax import lax
from jax.experimental import pallas as pl
from jax.experimental.pallas import tpu as pltpu
from jax.experimental.pallas import tpu_sc as plsc

B, N, D, K = 4, 2048, 128, 16
BLK = 256
NBLK = N // BLK
CP = 16
R = B * N * K
NW = 32
RPW = R // NW
CHUNK = 128
NCHUNK = RPW // CHUNK


def _proj_knn_body(coordsT_ref, coords_ref, feats_ref,
                   wl1_ref, bl1_ref, wq_ref, wk_ref, wv_ref, wp1_ref,
                   q_ref, xk_ref, xv_ref, u_ref, idx_ref):
    b = pl.program_id(0)

    feats = feats_ref[0]
    x = jnp.dot(feats, wl1_ref[...], preferred_element_type=jnp.float32)
    x = x + bl1_ref[...]
    q_ref[0] = jnp.dot(x, wq_ref[...], preferred_element_type=jnp.float32)
    xk_ref[0] = jnp.dot(x, wk_ref[...], preferred_element_type=jnp.float32)
    xv_ref[0] = jnp.dot(x, wv_ref[...], preferred_element_type=jnp.float32)

    coords = coords_ref[0]
    c16 = jnp.concatenate(
        [coords, jnp.zeros((BLK, CP - 3), jnp.float32)], axis=1)
    u_ref[0] = jnp.dot(c16, wp1_ref[...], preferred_element_type=jnp.float32)

    dx = coords[:, 0:1] - coordsT_ref[0, 0:1, :]
    dy = coords[:, 1:2] - coordsT_ref[0, 1:2, :]
    dz = coords[:, 2:3] - coordsT_ref[0, 2:3, :]
    d = (dx * dx + dy * dy) + dz * dz

    iota = lax.broadcasted_iota(jnp.int32, (BLK, N), 1)
    inf = jnp.float32(jnp.inf)
    cols = []
    for _ in range(K):
        m = jnp.min(d, axis=1, keepdims=True)
        cand = jnp.where(d == m, iota, jnp.int32(N))
        j = jnp.min(cand, axis=1, keepdims=True)
        cols.append(j)
        d = jnp.where(iota == j, inf, d)
    idx_ref[0] = jnp.concatenate(cols, axis=1) + b * N


def _proj_knn(coordinates, features, wl1t, bl1, wqt, wkt, wvt, wp1t):
    grid = (B, NBLK)
    coordsT = jnp.transpose(coordinates, (0, 2, 1))
    return pl.pallas_call(
        _proj_knn_body,
        grid=grid,
        in_specs=[
            pl.BlockSpec((1, 3, N), lambda b, nb: (b, 0, 0)),
            pl.BlockSpec((1, BLK, 3), lambda b, nb: (b, nb, 0)),
            pl.BlockSpec((1, BLK, D), lambda b, nb: (b, nb, 0)),
            pl.BlockSpec((D, D), lambda b, nb: (0, 0)),
            pl.BlockSpec((1, D), lambda b, nb: (0, 0)),
            pl.BlockSpec((D, D), lambda b, nb: (0, 0)),
            pl.BlockSpec((D, D), lambda b, nb: (0, 0)),
            pl.BlockSpec((D, D), lambda b, nb: (0, 0)),
            pl.BlockSpec((CP, D), lambda b, nb: (0, 0)),
        ],
        out_specs=[
            pl.BlockSpec((1, BLK, D), lambda b, nb: (b, nb, 0)),
            pl.BlockSpec((1, BLK, D), lambda b, nb: (b, nb, 0)),
            pl.BlockSpec((1, BLK, D), lambda b, nb: (b, nb, 0)),
            pl.BlockSpec((1, BLK, D), lambda b, nb: (b, nb, 0)),
            pl.BlockSpec((1, BLK, K), lambda b, nb: (b, nb, 0)),
        ],
        out_shape=[
            jax.ShapeDtypeStruct((B, N, D), jnp.float32),
            jax.ShapeDtypeStruct((B, N, D), jnp.float32),
            jax.ShapeDtypeStruct((B, N, D), jnp.float32),
            jax.ShapeDtypeStruct((B, N, D), jnp.float32),
            jax.ShapeDtypeStruct((B, N, K), jnp.int32),
        ],
    )(coordsT, coordinates, features, wl1t, bl1, wqt, wkt, wvt, wp1t)


def _sc_gather(idx_flat, xk_flat, xv_flat, u_flat):
    mesh = plsc.VectorSubcoreMesh(core_axis_name="c", subcore_axis_name="s")

    @functools.partial(
        pl.kernel,
        mesh=mesh,
        out_type=[
            jax.ShapeDtypeStruct((R, D), jnp.float32),
            jax.ShapeDtypeStruct((R, D), jnp.float32),
            jax.ShapeDtypeStruct((R, D), jnp.float32),
        ],
        scratch_types=[
            pltpu.VMEM((CHUNK,), jnp.int32),
            pltpu.VMEM((CHUNK, D), jnp.float32),
            pltpu.VMEM((CHUNK, D), jnp.float32),
            pltpu.VMEM((CHUNK, D), jnp.float32),
            pltpu.SemaphoreType.DMA,
            pltpu.SemaphoreType.DMA,
            pltpu.SemaphoreType.DMA,
        ],
    )
    def gather_kernel(idx_hbm, xk_hbm, xv_hbm, u_hbm,
                      kg_hbm, vg_hbm, ug_hbm,
                      idx_v, kbuf, vbuf, ubuf, sk, sv, su):
        wid = lax.axis_index("s") * 2 + lax.axis_index("c")

        def body(i, carry):
            base = wid * RPW + i * CHUNK
            pltpu.sync_copy(idx_hbm.at[pl.ds(base, CHUNK)], idx_v)
            ck = pltpu.async_copy(xk_hbm.at[idx_v], kbuf, sk)
            cv = pltpu.async_copy(xv_hbm.at[idx_v], vbuf, sv)
            cu = pltpu.async_copy(u_hbm.at[idx_v], ubuf, su)
            ck.wait()
            cv.wait()
            cu.wait()
            pltpu.sync_copy(kbuf, kg_hbm.at[pl.ds(base, CHUNK)])
            pltpu.sync_copy(vbuf, vg_hbm.at[pl.ds(base, CHUNK)])
            pltpu.sync_copy(ubuf, ug_hbm.at[pl.ds(base, CHUNK)])
            return carry

        lax.fori_loop(0, NCHUNK, body, 0)

    return gather_kernel(idx_flat, xk_flat, xv_flat, u_flat)


def _attn_body(q_ref, feats_ref, ui_ref, kg_ref, vg_ref, ug_ref,
               bp1_ref, wp2_ref, bp2_ref,
               wm1_ref, bm1_ref, wm2_ref, bm2_ref,
               wl2_ref, bl2_ref,
               attn_ref, out_ref):
    q = q_ref[0]
    kg = kg_ref[0]
    vg = vg_ref[0]
    ug = ug_ref[0]
    ui = ui_ref[0]

    p13 = jnp.maximum(
        (ui + bp1_ref[...])[:, None, :] - ug.reshape(BLK, K, D), 0.0)
    p1 = p13.reshape(BLK * K, D)
    pe = jnp.dot(p1, wp2_ref[...], preferred_element_type=jnp.float32)
    pe = pe + bp2_ref[...]
    pe3 = pe.reshape(BLK, K, D)

    t3 = q[:, None, :] - kg.reshape(BLK, K, D) + pe3
    t = t3.reshape(BLK * K, D)
    a1 = jnp.dot(t, wm1_ref[...], preferred_element_type=jnp.float32)
    a1 = jnp.maximum(a1 + bm1_ref[...], 0.0)
    lg = jnp.dot(a1, wm2_ref[...], preferred_element_type=jnp.float32)
    lg = (lg + bm2_ref[...]) / math.sqrt(D)

    s3 = lg.reshape(BLK, K, D)
    mx = jnp.max(s3, axis=1, keepdims=True)
    e3 = jnp.exp(s3 - mx)
    ssum = jnp.sum(e3, axis=1, keepdims=True)
    attn3 = e3 / ssum
    attn_ref[0] = attn3.reshape(BLK * K, D)

    w3 = attn3 * (vg.reshape(BLK, K, D) + pe3)
    o = jnp.sum(w3, axis=1)
    o = jnp.dot(o, wl2_ref[...], preferred_element_type=jnp.float32)
    out_ref[0] = o + bl2_ref[...] + feats_ref[0]


def _attn(q, features, u, kg, vg, ug,
          bp1, wp2t, bp2, wm1t, bm1, wm2t, bm2, wl2t, bl2):
    G = B * NBLK
    qv = q.reshape(G, BLK, D)
    fv = features.reshape(G, BLK, D)
    uiv = u.reshape(G, BLK, D)
    kgv = kg.reshape(G, BLK * K, D)
    vgv = vg.reshape(G, BLK * K, D)
    ugv = ug.reshape(G, BLK * K, D)
    full = lambda shape: pl.BlockSpec((1,) + shape, lambda g: (g, 0, 0))
    wspec = lambda shape: pl.BlockSpec(shape, lambda g: (0,) * len(shape))
    attn_f, out = pl.pallas_call(
        _attn_body,
        grid=(G,),
        in_specs=[
            full((BLK, D)), full((BLK, D)), full((BLK, D)),
            full((BLK * K, D)), full((BLK * K, D)), full((BLK * K, D)),
            wspec((1, D)), wspec((D, D)), wspec((1, D)),
            wspec((D, D)), wspec((1, D)), wspec((D, D)), wspec((1, D)),
            wspec((D, D)), wspec((1, D)),
        ],
        out_specs=[
            full((BLK * K, D)),
            full((BLK, D)),
        ],
        out_shape=[
            jax.ShapeDtypeStruct((G, BLK * K, D), jnp.float32),
            jax.ShapeDtypeStruct((G, BLK, D), jnp.float32),
        ],
    )(qv, fv, uiv, kgv, vgv, ugv,
      bp1, wp2t, bp2, wm1t, bm1, wm2t, bm2, wl2t, bl2)
    return attn_f.reshape(B, N, K, D), out.reshape(B, N, D)


def kernel(coordinates, features, W_l1, b_l1, W_l2, b_l2, W_q, W_k, W_v,
           W_m1, b_m1, W_m2, b_m2, W_p1, b_p1, W_p2, b_p2):
    wl1t = W_l1.T
    wqt = W_q.T
    wkt = W_k.T
    wvt = W_v.T
    wm1t = W_m1.T
    wm2t = W_m2.T
    wl2t = W_l2.T
    wp2t = W_p2.T
    wp1t = jnp.zeros((CP, D), jnp.float32).at[0:3].set(W_p1.T)
    bl1 = b_l1.reshape(1, D)
    bl2 = b_l2.reshape(1, D)
    bm1 = b_m1.reshape(1, D)
    bm2 = b_m2.reshape(1, D)
    bp1 = b_p1.reshape(1, D)
    bp2 = b_p2.reshape(1, D)

    q, xk, xv, u, idx = _proj_knn(coordinates, features, wl1t, bl1,
                                  wqt, wkt, wvt, wp1t)

    kg, vg, ug = _sc_gather(idx.reshape(R),
                            xk.reshape(B * N, D),
                            xv.reshape(B * N, D),
                            u.reshape(B * N, D))

    attn, out = _attn(q, features, u, kg, vg, ug,
                      bp1, wp2t, bp2, wm1t, bm1, wm2t, bm2,
                      wl2t, bl2)
    return (out, attn)

# --- scband reference (transcript-rebuilt; emitter-appended) ---
"""Pipeline reference for scband-point-transformer-layer-79946521247960 (READ-ONLY COPY).

The authoritative reference and input builder live on the scoring server;
editing this copy changes nothing except your own understanding.
"""

import jax, jax.numpy as jnp
import numpy as np

def _gather(points, idx):
    # points: [B, N, C], idx: [B, M, k] -> [B, M, k, C]
    B = idx.shape[0]
    flat = idx.reshape(B, -1)
    res = jnp.take_along_axis(points, flat[:, :, None], axis=1)
    return res.reshape(idx.shape + (points.shape[-1],))

def setup_inputs(seed: int = 0):
    key = jax.random.key(seed)
    ks = jax.random.split(key, 16)
    B, N, din, dout = 4, 2048, 128, 128
    s = 0.05
    inp = {}
    inp['coordinates'] = jax.random.uniform(ks[0], (B, N, 3), dtype=jnp.float32)
    inp['features'] = jax.random.normal(ks[1], (B, N, din), dtype=jnp.float32)
    inp['W_l1'] = jax.random.normal(ks[2], (dout, din), dtype=jnp.float32) * s
    inp['b_l1'] = jnp.zeros((dout,), dtype=jnp.float32)
    inp['W_l2'] = jax.random.normal(ks[3], (din, dout), dtype=jnp.float32) * s
    inp['b_l2'] = jnp.zeros((din,), dtype=jnp.float32)
    inp['W_q'] = jax.random.normal(ks[4], (dout, dout), dtype=jnp.float32) * s
    inp['W_k'] = jax.random.normal(ks[5], (dout, dout), dtype=jnp.float32) * s
    inp['W_v'] = jax.random.normal(ks[6], (dout, dout), dtype=jnp.float32) * s
    inp['W_m1'] = jax.random.normal(ks[7], (dout, dout), dtype=jnp.float32) * s
    inp['b_m1'] = jnp.zeros((dout,), dtype=jnp.float32)
    inp['W_m2'] = jax.random.normal(ks[8], (dout, dout), dtype=jnp.float32) * s
    inp['b_m2'] = jnp.zeros((dout,), dtype=jnp.float32)
    inp['W_p1'] = jax.random.normal(ks[9], (dout, 3), dtype=jnp.float32) * s
    inp['b_p1'] = jnp.zeros((dout,), dtype=jnp.float32)
    inp['W_p2'] = jax.random.normal(ks[10], (dout, dout), dtype=jnp.float32) * s
    inp['b_p2'] = jnp.zeros((dout,), dtype=jnp.float32)
    return inp

def reference(coordinates, features, W_l1, b_l1, W_l2, b_l2, W_q, W_k, W_v, W_m1, b_m1, W_m2, b_m2, W_p1, b_p1, W_p2, b_p2):
    kk = 16
    dists = jnp.sum((coordinates[:, :, None] - coordinates[:, None]) ** 2, axis=-1)
    knn_idx = jnp.argsort(dists, axis=-1)[:, :, :kk]
    knn_coords = _gather(coordinates, knn_idx)
    before = features
    x = features @ W_l1.T + b_l1
    q = x @ W_q.T
    kg = _gather(x @ W_k.T, knn_idx)
    vg = _gather(x @ W_v.T, knn_idx)
    rel = coordinates[:, :, None] - knn_coords
    pe = jax.nn.relu(rel @ W_p1.T + b_p1) @ W_p2.T + b_p2
    attn = jax.nn.relu((q[:, :, None] - kg + pe) @ W_m1.T + b_m1) @ W_m2.T + b_m2
    attn = jax.nn.softmax(attn / np.sqrt(kg.shape[-1]), axis=-2)
    out = jnp.einsum('bmnf,bmnf->bmf', attn, vg + pe)
    out = out @ W_l2.T + b_l2
    out = out + before
    return (out, attn)

if __name__ == "__main__":
    import jax
    _d = setup_inputs()
    print(jax.jit(kernel)(*tuple(_d.values())))

</pallas_src>

<mosaic_0001>
#map = affine_map<(d0, d1) -> (0)>
#map1 = affine_map<(d0, d1) -> (0, 0)>
module attributes {stable_mosaic.version = 14 : i64} {
  func.func @gather_kernel(%arg0: i32, %arg1: i32, %arg2: memref<131072xi32, #tpu.memory_space<hbm>>, %arg3: memref<8192x128xf32, #tpu.memory_space<hbm>>, %arg4: memref<8192x128xf32, #tpu.memory_space<hbm>>, %arg5: memref<8192x128xf32, #tpu.memory_space<hbm>>, %arg6: memref<131072x128xf32, #tpu.memory_space<hbm>>, %arg7: memref<131072x128xf32, #tpu.memory_space<hbm>>, %arg8: memref<131072x128xf32, #tpu.memory_space<hbm>>, %arg9: memref<128xi32, #tpu.memory_space<vmem>>, %arg10: memref<128x128xf32, #tpu.memory_space<vmem>>, %arg11: memref<128x128xf32, #tpu.memory_space<vmem>>, %arg12: memref<128x128xf32, #tpu.memory_space<vmem>>, %arg13: memref<!tpu.dma_semaphore, #tpu.memory_space<semaphore_mem>>, %arg14: memref<!tpu.dma_semaphore, #tpu.memory_space<semaphore_mem>>, %arg15: memref<!tpu.dma_semaphore, #tpu.memory_space<semaphore_mem>>) attributes {dimension_semantics = [#tpu.dimension_semantics<core_parallel>, #tpu.dimension_semantics<subcore_parallel>], iteration_bounds = array<i64: 2, 16>, scalar_prefetch = 0 : i64, scratch_operands = 7 : i64, tpu.core_type = #tpu.core_type<sc_vector_subcore>, window_params = [{transform_indices = #map}, {transform_indices = #map1}, {transform_indices = #map1}, {transform_indices = #map1}, {transform_indices = #map1}, {transform_indices = #map1}, {transform_indices = #map1}]} {
    %mul3A = arith.constant 2 : i32
    %mul3A_0 = arith.muli %arg1, %mul3A : i32
    %add3A = arith.addi %mul3A_0, %arg0 : i32
    %scan3A = arith.constant 0 : i32
    %scan3A_1 = arith.constant 0 : i32
    %scan3A_2 = arith.constant 32 : i32
    %scan3A_3 = arith.addi %scan3A_1, %scan3A_2 : i32
    %scan3A_4 = arith.constant 1 : i32
    scf.for %scan3A_6 = %scan3A_1 to %scan3A_3 step %scan3A_4  : i32 {
      %mul3A_7 = arith.constant 4096 : i32
      %mul3A_8 = arith.muli %add3A, %mul3A_7 : i32
      %mul3A_9 = arith.constant 128 : i32
      %mul3A_10 = arith.muli %scan3A_6, %mul3A_9 : i32
      %add3A_11 = arith.addi %mul3A_8, %mul3A_10 : i32
      "tpu.region"() ({
        %run_scoped3A = tpu.sem_alloc : memref<!tpu.dma_semaphore, #tpu.memory_space<semaphore_mem>>
        %dma_start3A_28 = tpu.memref_slice %arg2[%add3A_11] : memref<131072xi32, #tpu.memory_space<hbm>> -> memref<128xi32, #tpu.memory_space<hbm>>
        %dma_start3A_29 = tpu.memref_slice %arg2[%add3A_11] : memref<131072xi32, #tpu.memory_space<hbm>> -> memref<128xi32, #tpu.memory_space<hbm>>
        tpu.enqueue_dma source(%dma_start3A_29 : memref<128xi32, #tpu.memory_space<hbm>>) target(%arg9 : memref<128xi32, #tpu.memory_space<vmem>>) target_semaphore(%run_scoped3A : memref<!tpu.dma_semaphore, #tpu.memory_space<semaphore_mem>>)
        %dma_wait3A_30 = tpu.memref_slice %arg2[%add3A_11] : memref<131072xi32, #tpu.memory_space<hbm>> -> memref<128xi32, #tpu.memory_space<hbm>>
        %dma_wait3A_31 = tpu.memref_slice %arg2[%add3A_11] : memref<131072xi32, #tpu.memory_space<hbm>> -> memref<128xi32, #tpu.memory_space<hbm>>
        tpu.wait_dma2 semaphore(%run_scoped3A : memref<!tpu.dma_semaphore, #tpu.memory_space<semaphore_mem>>) src(%dma_wait3A_31 : memref<128xi32, #tpu.memory_space<hbm>>) dst(%arg9 : memref<128xi32, #tpu.memory_space<vmem>>)
        tpu.yield
      }) : () -> ()
      %dma_start3A = arith.constant 0 : i32
      %dma_start3A_12 = arith.constant 0 : i32
      %dma_start3A_13 = tpu.memref_slice %arg3[%dma_start3A, %dma_start3A_12] : memref<8192x128xf32, #tpu.memory_space<hbm>> -> memref<8192x128xf32, #tpu.memory_space<hbm>>
      tpu.enqueue_indirect_dma source(%dma_start3A_13 : memref<8192x128xf32, #tpu.memory_space<hbm>>) target(%arg10 : memref<128x128xf32, #tpu.memory_space<vmem>>) offsets(%arg9 : memref<128xi32, #tpu.memory_space<vmem>>) semaphore(%arg13 : memref<!tpu.dma_semaphore, #tpu.memory_space<semaphore_mem>>)
      %dma_start3A_14 = arith.constant 0 : i32
      %dma_start3A_15 = arith.constant 0 : i32
      %dma_start3A_16 = tpu.memref_slice %arg4[%dma_start3A_14, %dma_start3A_15] : memref<8192x128xf32, #tpu.memory_space<hbm>> -> memref<8192x128xf32, #tpu.memory_space<hbm>>
      tpu.enqueue_indirect_dma source(%dma_start3A_16 : memref<8192x128xf32, #tpu.memory_space<hbm>>) target(%arg11 : memref<128x128xf32, #tpu.memory_space<vmem>>) offsets(%arg9 : memref<128xi32, #tpu.memory_space<vmem>>) semaphore(%arg14 : memref<!tpu.dma_semaphore, #tpu.memory_space<semaphore_mem>>)
      %dma_start3A_17 = arith.constant 0 : i32
      %dma_start3A_18 = arith.constant 0 : i32
      %dma_start3A_19 = tpu.memref_slice %arg5[%dma_start3A_17, %dma_start3A_18] : memref<8192x128xf32, #tpu.memory_space<hbm>> -> memref<8192x128xf32, #tpu.memory_space<hbm>>
      tpu.enqueue_indirect_dma source(%dma_start3A_19 : memref<8192x128xf32, #tpu.memory_space<hbm>>) target(%arg12 : memref<128x128xf32, #tpu.memory_space<vmem>>) offsets(%arg9 : memref<128xi32, #tpu.memory_space<vmem>>) semaphore(%arg15 : memref<!tpu.dma_semaphore, #tpu.memory_space<semaphore_mem>>)
      %dma_wait3A = arith.constant 0 : i32
      %dma_wait3A_20 = arith.constant 0 : i32
      %dma_wait3A_21 = tpu.memref_slice %arg3[%dma_wait3A, %dma_wait3A_20] : memref<8192x128xf32, #tpu.memory_space<hbm>> -> memref<8192x128xf32, #tpu.memory_space<hbm>>
      tpu.wait_indirect_dma semaphore(%arg13 : memref<!tpu.dma_semaphore, #tpu.memory_space<semaphore_mem>>) src(%dma_wait3A_21 : memref<8192x128xf32, #tpu.memory_space<hbm>>) dst(%arg10 : memref<128x128xf32, #tpu.memory_space<vmem>>)
      %dma_wait3A_22 = arith.constant 0 : i32
      %dma_wait3A_23 = arith.constant 0 : i32
      %dma_wait3A_24 = tpu.memref_slice %arg4[%dma_wait3A_22, %dma_wait3A_23] : memref<8192x128xf32, #tpu.memory_space<hbm>> -> memref<8192x128xf32, #tpu.memory_space<hbm>>
      tpu.wait_indirect_dma semaphore(%arg14 : memref<!tpu.dma_semaphore, #tpu.memory_space<semaphore_mem>>) src(%dma_wait3A_24 : memref<8192x128xf32, #tpu.memory_space<hbm>>) dst(%arg11 : memref<128x128xf32, #tpu.memory_space<vmem>>)
      %dma_wait3A_25 = arith.constant 0 : i32
      %dma_wait3A_26 = arith.constant 0 : i32
      %dma_wait3A_27 = tpu.memref_slice %arg5[%dma_wait3A_25, %dma_wait3A_26] : memref<8192x128xf32, #tpu.memory_space<hbm>> -> memref<8192x128xf32, #tpu.memory_space<hbm>>
      tpu.wait_indirect_dma semaphore(%arg15 : memref<!tpu.dma_semaphore, #tpu.memory_space<semaphore_mem>>) src(%dma_wait3A_27 : memref<8192x128xf32, #tpu.memory_space<hbm>>) dst(%arg12 : memref<128x128xf32, #tpu.memory_space<vmem>>)
      "tpu.region"() ({
        %run_scoped3A = tpu.sem_alloc : memref<!tpu.dma_semaphore, #tpu.memory_space<semaphore_mem>>
        %dma_start3A_28 = arith.constant 0 : i32
        %dma_start3A_29 = tpu.memref_slice %arg6[%add3A_11, %dma_start3A_28] : memref<131072x128xf32, #tpu.memory_space<hbm>> -> memref<128x128xf32, #tpu.memory_space<hbm>>
        %dma_start3A_30 = arith.constant 0 : i32
        %dma_start3A_31 = tpu.memref_slice %arg6[%add3A_11, %dma_start3A_30] : memref<131072x128xf32, #tpu.memory_space<hbm>> -> memref<128x128xf32, #tpu.memory_space<hbm>>
        tpu.enqueue_dma source(%arg10 : memref<128x128xf32, #tpu.memory_space<vmem>>) target(%dma_start3A_31 : memref<128x128xf32, #tpu.memory_space<hbm>>) target_semaphore(%run_scoped3A : memref<!tpu.dma_semaphore, #tpu.memory_space<semaphore_mem>>)
        %dma_wait3A_32 = arith.constant 0 : i32
        %dma_wait3A_33 = tpu.memref_slice %arg6[%add3A_11, %dma_wait3A_32] : memref<131072x128xf32, #tpu.memory_space<hbm>> -> memref<128x128xf32, #tpu.memory_space<hbm>>
        %dma_wait3A_34 = arith.constant 0 : i32
        %dma_wait3A_35 = tpu.memref_slice %arg6[%add3A_11, %dma_wait3A_34] : memref<131072x128xf32, #tpu.memory_space<hbm>> -> memref<128x128xf32, #tpu.memory_space<hbm>>
        tpu.wait_dma2 semaphore(%run_scoped3A : memref<!tpu.dma_semaphore, #tpu.memory_space<semaphore_mem>>) src(%arg10 : memref<128x128xf32, #tpu.memory_space<vmem>>) dst(%dma_wait3A_35 : memref<128x128xf32, #tpu.memory_space<hbm>>)
        tpu.yield
      }) : () -> ()
      "tpu.region"() ({
        %run_scoped3A = tpu.sem_alloc : memref<!tpu.dma_semaphore, #tpu.memory_space<semaphore_mem>>
        %dma_start3A_28 = arith.constant 0 : i32
        %dma_start3A_29 = tpu.memref_slice %arg7[%add3A_11, %dma_start3A_28] : memref<131072x128xf32, #tpu.memory_space<hbm>> -> memref<128x128xf32, #tpu.memory_space<hbm>>
        %dma_start3A_30 = arith.constant 0 : i32
        %dma_start3A_31 = tpu.memref_slice %arg7[%add3A_11, %dma_start3A_30] : memref<131072x128xf32, #tpu.memory_space<hbm>> -> memref<128x128xf32, #tpu.memory_space<hbm>>
        tpu.enqueue_dma source(%arg11 : memref<128x128xf32, #tpu.memory_space<vmem>>) target(%dma_start3A_31 : memref<128x128xf32, #tpu.memory_space<hbm>>) target_semaphore(%run_scoped3A : memref<!tpu.dma_semaphore, #tpu.memory_space<semaphore_mem>>)
        %dma_wait3A_32 = arith.constant 0 : i32
        %dma_wait3A_33 = tpu.memref_slice %arg7[%add3A_11, %dma_wait3A_32] : memref<131072x128xf32, #tpu.memory_space<hbm>> -> memref<128x128xf32, #tpu.memory_space<hbm>>
        %dma_wait3A_34 = arith.constant 0 : i32
        %dma_wait3A_35 = tpu.memref_slice %arg7[%add3A_11, %dma_wait3A_34] : memref<131072x128xf32, #tpu.memory_space<hbm>> -> memref<128x128xf32, #tpu.memory_space<hbm>>
        tpu.wait_dma2 semaphore(%run_scoped3A : memref<!tpu.dma_semaphore, #tpu.memory_space<semaphore_mem>>) src(%arg11 : memref<128x128xf32, #tpu.memory_space<vmem>>) dst(%dma_wait3A_35 : memref<128x128xf32, #tpu.memory_space<hbm>>)
        tpu.yield
      }) : () -> ()
      "tpu.region"() ({
        %run_scoped3A = tpu.sem_alloc : memref<!tpu.dma_semaphore, #tpu.memory_space<semaphore_mem>>
        %dma_start3A_28 = arith.constant 0 : i32
        %dma_start3A_29 = tpu.memref_slice %arg8[%add3A_11, %dma_start3A_28] : memref<131072x128xf32, #tpu.memory_space<hbm>> -> memref<128x128xf32, #tpu.memory_space<hbm>>
        %dma_start3A_30 = arith.constant 0 : i32
        %dma_start3A_31 = tpu.memref_slice %arg8[%add3A_11, %dma_start3A_30] : memref<131072x128xf32, #tpu.memory_space<hbm>> -> memref<128x128xf32, #tpu.memory_space<hbm>>
        tpu.enqueue_dma source(%arg12 : memref<128x128xf32, #tpu.memory_space<vmem>>) target(%dma_start3A_31 : memref<128x128xf32, #tpu.memory_space<hbm>>) target_semaphore(%run_scoped3A : memref<!tpu.dma_semaphore, #tpu.memory_space<semaphore_mem>>)
        %dma_wait3A_32 = arith.constant 0 : i32
        %dma_wait3A_33 = tpu.memref_slice %arg8[%add3A_11, %dma_wait3A_32] : memref<131072x128xf32, #tpu.memory_space<hbm>> -> memref<128x128xf32, #tpu.memory_space<hbm>>
        %dma_wait3A_34 = arith.constant 0 : i32
        %dma_wait3A_35 = tpu.memref_slice %arg8[%add3A_11, %dma_wait3A_34] : memref<131072x128xf32, #tpu.memory_space<hbm>> -> memref<128x128xf32, #tpu.memory_space<hbm>>
        tpu.wait_dma2 semaphore(%run_scoped3A : memref<!tpu.dma_semaphore, #tpu.memory_space<semaphore_mem>>) src(%arg12 : memref<128x128xf32, #tpu.memory_space<vmem>>) dst(%dma_wait3A_35 : memref<128x128xf32, #tpu.memory_space<hbm>>)
        tpu.yield
      }) : () -> ()
    }
    %scan3A_5 = arith.constant 32 : i32
    return
  }
}

module attributes {stable_mosaic.version = 14 : i64} {
  func.func @_proj_knn_body(%arg0: i32, %arg1: i32, %arg2: memref<1x3x2048xf32, #tpu.memory_space<vmem>>, %arg3: memref<1x256x3xf32, #tpu.memory_space<vmem>>, %arg4: memref<1x256x128xf32, #tpu.memory_space<vmem>>, %arg5: memref<128x128xf32, #tpu.memory_space<vmem>>, %arg6: memref<1x128xf32, #tpu.memory_space<vmem>>, %arg7: memref<128x128xf32, #tpu.memory_space<vmem>>, %arg8: memref<128x128xf32, #tpu.memory_space<vmem>>, %arg9: memref<128x128xf32, #tpu.memory_space<vmem>>, %arg10: memref<16x128xf32, #tpu.memory_space<vmem>>, %arg11: memref<1x256x128xf32, #tpu.memory_space<vmem>>, %arg12: memref<1x256x128xf32, #tpu.memory_space<vmem>>, %arg13: memref<1x256x128xf32, #tpu.memory_space<vmem>>, %arg14: memref<1x256x128xf32, #tpu.memory_space<vmem>>, %arg15: memref<1x256x16xi32, #tpu.memory_space<vmem>>) attributes {dimension_semantics = [#tpu.dimension_semantics<arbitrary>, #tpu.dimension_semantics<arbitrary>], iteration_bounds = array<i64: 4, 8>, scalar_prefetch = 0 : i64, scratch_operands = 0 : i64, tpu.core_type = #tpu.core_type<tc>, window_params = [{transform_indices = @transform_0, window_bounds = array<i64: 1, 3, 2048>}, {transform_indices = @transform_1, window_bounds = array<i64: 1, 256, 3>}, {transform_indices = @transform_2, window_bounds = array<i64: 1, 256, 128>}, {pipeline_mode = #tpu.pipeline_mode<synchronous>, transform_indices = @transform_3, window_bounds = array<i64: 128, 128>}, {pipeline_mode = #tpu.pipeline_mode<synchronous>, transform_indices = @transform_4, window_bounds = array<i64: 1, 128>}, {pipeline_mode = #tpu.pipeline_mode<synchronous>, transform_indices = @transform_5, window_bounds = array<i64: 128, 128>}, {pipeline_mode = #tpu.pipeline_mode<synchronous>, transform_indices = @transform_6, window_bounds = array<i64: 128, 128>}, {pipeline_mode = #tpu.pipeline_mode<synchronous>, transform_indices = @transform_7, window_bounds = array<i64: 128, 128>}, {pipeline_mode = #tpu.pipeline_mode<synchronous>, transform_indices = @transform_8, window_bounds = array<i64: 16, 128>}, {transform_indices = @transform_9, window_bounds = array<i64: 1, 256, 128>}, {transform_indices = @transform_10, window_bounds = array<i64: 1, 256, 128>}, {transform_indices = @transform_11, window_bounds = array<i64: 1, 256, 128>}, {transform_indices = @transform_12, window_bounds = array<i64: 1, 256, 128>}, {transform_indices = @transform_13, window_bounds = array<i64: 1, 256, 16>}]} {
    %get3A = arith.constant 0 : index
    %get3A_0 = arith.constant 0 : index
    %get3A_1 = arith.constant 0 : index
    %get3A_2 = vector.load %arg4[%get3A, %get3A_0, %get3A_1] : memref<1x256x128xf32, #tpu.memory_space<vmem>>, vector<1x256x128xf32>
    %get3A_3 = vector.shape_cast %get3A_2 : vector<1x256x128xf32> to vector<256x128xf32>
    %get3A_4 = arith.constant 0 : index
    %get3A_5 = arith.constant 0 : index
    %get3A_6 = vector.load %arg5[%get3A_4, %get3A_5] : memref<128x128xf32, #tpu.memory_space<vmem>>, vector<128x128xf32>
    %dot_general3A = arith.constant dense<0.000000e+00> : vector<256x128xf32>
    %dot_general3A_7 = tpu.matmul %get3A_3, %get3A_6, %dot_general3A {dimension_numbers = #tpu.dot_dimension_numbers<[1], [0], [0], [1], [0, 0, 1, 1], [], []>, transpose_lhs_hint = false} : vector<256x128xf32>, vector<128x128xf32>, vector<256x128xf32> -> vector<256x128xf32>
    %get3A_8 = arith.constant 0 : index
    %get3A_9 = arith.constant 0 : index
    %get3A_10 = vector.load %arg6[%get3A_8, %get3A_9] : memref<1x128xf32, #tpu.memory_space<vmem>>, vector<1x128xf32>
    %add3A = vector.broadcast %get3A_10 : vector<1x128xf32> to vector<256x128xf32>
    %add3A_11 = arith.addf %dot_general3A_7, %add3A : vector<256x128xf32>
    %get3A_12 = arith.constant 0 : index
    %get3A_13 = arith.constant 0 : index
    %get3A_14 = vector.load %arg7[%get3A_12, %get3A_13] : memref<128x128xf32, #tpu.memory_space<vmem>>, vector<128x128xf32>
    %dot_general3A_15 = arith.constant dense<0.000000e+00> : vector<256x128xf32>
    %dot_general3A_16 = tpu.matmul %add3A_11, %get3A_14, %dot_general3A_15 {dimension_numbers = #tpu.dot_dimension_numbers<[1], [0], [0], [1], [0, 0, 1, 1], [], []>, transpose_lhs_hint = false} : vector<256x128xf32>, vector<128x128xf32>, vector<256x128xf32> -> vector<256x128xf32>
    %swap3A = arith.constant 0 : index
    %swap3A_17 = arith.constant 0 : index
    %swap3A_18 = arith.constant 0 : index
    %swap3A_19 = vector.load %arg11[%swap3A, %swap3A_17, %swap3A_18] : memref<1x256x128xf32, #tpu.memory_space<vmem>>, vector<1x256x128xf32>
    %swap3A_20 = vector.shape_cast %swap3A_19 : vector<1x256x128xf32> to vector<256x128xf32>
    %swap3A_21 = vector.shape_cast %dot_general3A_16 : vector<256x128xf32> to vector<1x256x128xf32>
    tpu.vector_store %arg11[%swap3A, %swap3A_17, %swap3A_18], %swap3A_21 {strides = array<i32>} : memref<1x256x128xf32, #tpu.memory_space<vmem>>, vector<1x256x128xf32>,
    %get3A_22 = arith.constant 0 : index
    %get3A_23 = arith.constant 0 : index
    %get3A_24 = vector.load %arg8[%get3A_22, %get3A_23] : memref<128x128xf32, #tpu.memory_space<vmem>>, vector<128x128xf32>
    %dot_general3A_25 = arith.constant dense<0.000000e+00> : vector<256x128xf32>
    %dot_general3A_26 = tpu.matmul %add3A_11, %get3A_24, %dot_general3A_25 {dimension_numbers = #tpu.dot_dimension_numbers<[1], [0], [0], [1], [0, 0, 1, 1], [], []>, transpose_lhs_hint = false} : vector<256x128xf32>, vector<128x128xf32>, vector<256x128xf32> -> vector<256x128xf32>
    %swap3A_27 = arith.constant 0 : index
    %swap3A_28 = arith.constant 0 : index
    %swap3A_29 = arith.constant 0 : index
    %swap3A_30 = vector.load %arg12[%swap3A_27, %swap3A_28, %swap3A_29] : memref<1x256x128xf32, #tpu.memory_space<vmem>>, vector<1x256x128xf32>
    %swap3A_31 = vector.shape_cast %swap3A_30 : vector<1x256x128xf32> to vector<256x128xf32>
    %swap3A_32 = vector.shape_cast %dot_general3A_26 : vector<256x128xf32> to vector<1x256x128xf32>
    tpu.vector_store %arg12[%swap3A_27, %swap3A_28, %swap3A_29], %swap3A_32 {strides = array<i32>} : memref<1x256x128xf32, #tpu.memory_space<vmem>>, vector<1x256x128xf32>,
    %get3A_33 = arith.constant 0 : index
    %get3A_34 = arith.constant 0 : index
    %get3A_35 = vector.load %arg9[%get3A_33, %get3A_34] : memref<128x128xf32, #tpu.memory_space<vmem>>, vector<128x128xf32>
    %dot_general3A_36 = arith.constant dense<0.000000e+00> : vector<256x128xf32>
    %dot_general3A_37 = tpu.matmul %add3A_11, %get3A_35, %dot_general3A_36 {dimension_numbers = #tpu.dot_dimension_numbers<[1], [0], [0], [1], [0, 0, 1, 1], [], []>, transpose_lhs_hint = false} : vector<256x128xf32>, vector<128x128xf32>, vector<256x128xf32> -> vector<256x128xf32>
    %swap3A_38 = arith.constant 0 : index
    %swap3A_39 = arith.constant 0 : index
    %swap3A_40 = arith.constant 0 : index
    %swap3A_41 = vector.load %arg13[%swap3A_38, %swap3A_39, %swap3A_40] : memref<1x256x128xf32, #tpu.memory_space<vmem>>, vector<1x256x128xf32>
    %swap3A_42 = vector.shape_cast %swap3A_41 : vector<1x256x128xf32> to vector<256x128xf32>
    %swap3A_43 = vector.shape_cast %dot_general3A_37 : vector<256x128xf32> to vector<1x256x128xf32>
    tpu.vector_store %arg13[%swap3A_38, %swap3A_39, %swap3A_40], %swap3A_43 {strides = array<i32>} : memref<1x256x128xf32, #tpu.memory_space<vmem>>, vector<1x256x128xf32>,
    %get3A_44 = arith.constant 0 : index
    %get3A_45 = arith.constant 0 : index
    %get3A_46 = arith.constant 0 : index
    %get3A_47 = vector.load %arg3[%get3A_44, %get3A_45, %get3A_46] : memref<1x256x3xf32, #tpu.memory_space<vmem>>, vector<1x256x3xf32>
    %get3A_48 = vector.shape_cast %get3A_47 : vector<1x256x3xf32> to vector<256x3xf32>
    %broadcast_in_dim3A = arith.constant 0.000000e+00 : f32
    %broadcast_in_dim3A_49 = vector.broadcast %broadcast_in_dim3A : f32 to vector<256x13xf32>
    %concatenate3A = tpu.concatenate %get3A_48, %broadcast_in_dim3A_49 in 1 : vector<256x3xf32>, vector<256x13xf32> -> vector<256x16xf32>
    %get3A_50 = arith.constant 0 : index
    %get3A_51 = arith.constant 0 : index
    %get3A_52 = vector.load %arg10[%get3A_50, %get3A_51] : memref<16x128xf32, #tpu.memory_space<vmem>>, vector<16x128xf32>
    %dot_general3A_53 = arith.constant dense<0.000000e+00> : vector<256x128xf32>
    %dot_general3A_54 = tpu.matmul %concatenate3A, %get3A_52, %dot_general3A_53 {dimension_numbers = #tpu.dot_dimension_numbers<[1], [0], [0], [1], [0, 0, 1, 1], [], []>, transpose_lhs_hint = false} : vector<256x16xf32>, vector<16x128xf32>, vector<256x128xf32> -> vector<256x128xf32>
    %swap3A_55 = arith.constant 0 : index
    %swap3A_56 = arith.constant 0 : index
    %swap3A_57 = arith.constant 0 : index
    %swap3A_58 = vector.load %arg14[%swap3A_55, %swap3A_56, %swap3A_57] : memref<1x256x128xf32, #tpu.memory_space<vmem>>, vector<1x256x128xf32>
    %swap3A_59 = vector.shape_cast %swap3A_58 : vector<1x256x128xf32> to vector<256x128xf32>
    %swap3A_60 = vector.shape_cast %dot_general3A_54 : vector<256x128xf32> to vector<1x256x128xf32>
    tpu.vector_store %arg14[%swap3A_55, %swap3A_56, %swap3A_57], %swap3A_60 {strides = array<i32>} : memref<1x256x128xf32, #tpu.memory_space<vmem>>, vector<1x256x128xf32>,
    %slice3A = vector.extract_strided_slice %get3A_48 {offsets = [0, 0], sizes = [256, 1], strides = [1, 1]} : vector<256x3xf32> to vector<256x1xf32>
    %get3A_61 = arith.constant 0 : index
    %get3A_62 = arith.constant 0 : index
    %get3A_63 = arith.constant 0 : index
    %get3A_64 = vector.load %arg2[%get3A_61, %get3A_62, %get3A_63] : memref<1x3x2048xf32, #tpu.memory_space<vmem>>, vector<1x1x2048xf32>
    %get3A_65 = vector.shape_cast %get3A_64 : vector<1x1x2048xf32> to vector<1x2048xf32>
    %sub3A = vector.broadcast %slice3A : vector<256x1xf32> to vector<256x2048xf32>
    %sub3A_66 = vector.broadcast %get3A_65 : vector<1x2048xf32> to vector<256x2048xf32>
    %sub3A_67 = arith.subf %sub3A, %sub3A_66 : vector<256x2048xf32>
    %slice3A_68 = vector.extract_strided_slice %get3A_48 {offsets = [0, 1], sizes = [256, 1], strides = [1, 1]} : vector<256x3xf32> to vector<256x1xf32>
    %get3A_69 = arith.constant 0 : index
    %get3A_70 = arith.constant 1 : index
    %get3A_71 = arith.constant 0 : index
    %get3A_72 = vector.load %arg2[%get3A_69, %get3A_70, %get3A_71] : memref<1x3x2048xf32, #tpu.memory_space<vmem>>, vector<1x1x2048xf32>
    %get3A_73 = vector.shape_cast %get3A_72 : vector<1x1x2048xf32> to vector<1x2048xf32>
    %sub3A_74 = vector.broadcast %slice3A_68 : vector<256x1xf32> to vector<256x2048xf32>
    %sub3A_75 = vector.broadcast %get3A_73 : vector<1x2048xf32> to vector<256x2048xf32>
    %sub3A_76 = arith.subf %sub3A_74, %sub3A_75 : vector<256x2048xf32>
    %slice3A_77 = vector.extract_strided_slice %get3A_48 {offsets = [0, 2], sizes = [256, 1], strides = [1, 1]} : vector<256x3xf32> to vector<256x1xf32>
    %get3A_78 = arith.constant 0 : index
    %get3A_79 = arith.constant 2 : index
    %get3A_80 = arith.constant 0 : index
    %get3A_81 = vector.load %arg2[%get3A_78, %get3A_79, %get3A_80] : memref<1x3x2048xf32, #tpu.memory_space<vmem>>, vector<1x1x2048xf32>
    %get3A_82 = vector.shape_cast %get3A_81 : vector<1x1x2048xf32> to vector<1x2048xf32>
    %sub3A_83 = vector.broadcast %slice3A_77 : vector<256x1xf32> to vector<256x2048xf32>
    %sub3A_84 = vector.broadcast %get3A_82 : vector<1x2048xf32> to vector<256x2048xf32>
    %sub3A_85 = arith.subf %sub3A_83, %sub3A_84 : vector<256x2048xf32>
    %mul3A = arith.mulf %sub3A_67, %sub3A_67 : vector<256x2048xf32>
    %mul3A_86 = arith.mulf %sub3A_76, %sub3A_76 : vector<256x2048xf32>
    %add3A_87 = arith.addf %mul3A, %mul3A_86 : vector<256x2048xf32>
    %mul3A_88 = arith.mulf %sub3A_85, %sub3A_85 : vector<256x2048xf32>
    %add3A_89 = arith.addf %add3A_87, %mul3A_88 : vector<256x2048xf32>
    %iota3A = tpu.iota {dimensions = array<i32: 1>} : vector<256x2048xi32>
    %reduce_min3A = arith.constant dense<0x7F800000> : vector<256xf32>
    %reduce_min3A_90 = vector.multi_reduction <minimumf>, %add3A_89, %reduce_min3A [1] : vector<256x2048xf32> to vector<256xf32>
    %broadcast_in_dim3A_91 = vector.shape_cast %reduce_min3A_90 : vector<256xf32> to vector<256x1xf32>
    %eq3A = vector.broadcast %broadcast_in_dim3A_91 : vector<256x1xf32> to vector<256x2048xf32>
    %eq3A_92 = arith.cmpf oeq, %add3A_89, %eq3A : vector<256x2048xf32>
    %jit3A = arith.constant 2048 : i32
    %broadcast_in_dim3A_93 = vector.broadcast %jit3A : i32 to vector<256x2048xi32>
    %select_n3A = arith.select %eq3A_92, %iota3A, %broadcast_in_dim3A_93 : vector<256x2048xi1>, vector<256x2048xi32>
    %reduce_min3A_94 = arith.constant dense<2147483647> : vector<256xi32>
    %reduce_min3A_95 = vector.multi_reduction <minsi>, %select_n3A, %reduce_min3A_94 [1] : vector<256x2048xi32> to vector<256xi32>
    %broadcast_in_dim3A_96 = vector.shape_cast %reduce_min3A_95 : vector<256xi32> to vector<256x1xi32>
    %eq3A_97 = vector.broadcast %broadcast_in_dim3A_96 : vector<256x1xi32> to vector<256x2048xi32>
    %eq3A_98 = arith.cmpi eq, %iota3A, %eq3A_97 : vector<256x2048xi32>
    %jit3A_99 = arith.constant 0x7F800000 : f32
    %broadcast_in_dim3A_100 = vector.broadcast %jit3A_99 : f32 to vector<256x2048xf32>
    %select_n3A_101 = arith.select %eq3A_98, %broadcast_in_dim3A_100, %add3A_89 : vector<256x2048xi1>, vector<256x2048xf32>
    %reduce_min3A_102 = arith.constant dense<0x7F800000> : vector<256xf32>
    %reduce_min3A_103 = vector.multi_reduction <minimumf>, %select_n3A_101, %reduce_min3A_102 [1] : vector<256x2048xf32> to vector<256xf32>
    %broadcast_in_dim3A_104 = vector.shape_cast %reduce_min3A_103 : vector<256xf32> to vector<256x1xf32>
    %eq3A_105 = vector.broadcast %broadcast_in_dim3A_104 : vector<256x1xf32> to vector<256x2048xf32>
    %eq3A_106 = arith.cmpf oeq, %select_n3A_101, %eq3A_105 : vector<256x2048xf32>
    %jit3A_107 = arith.constant 2048 : i32
    %broadcast_in_dim3A_108 = vector.broadcast %jit3A_107 : i32 to vector<256x2048xi32>
    %select_n3A_109 = arith.select %eq3A_106, %iota3A, %broadcast_in_dim3A_108 : vector<256x2048xi1>, vector<256x2048xi32>
    %reduce_min3A_110 = arith.constant dense<2147483647> : vector<256xi32>
    %reduce_min3A_111 = vector.multi_reduction <minsi>, %select_n3A_109, %reduce_min3A_110 [1] : vector<256x2048xi32> to vector<256xi32>
    %broadcast_in_dim3A_112 = vector.shape_cast %reduce_min3A_111 : vector<256xi32> to vector<256x1xi32>
    %eq3A_113 = vector.broadcast %broadcast_in_dim3A_112 : vector<256x1xi32> to vector<256x2048xi32>
    %eq3A_114 = arith.cmpi eq, %iota3A, %eq3A_113 : vector<256x2048xi32>
    %jit3A_115 = arith.constant 0x7F800000 : f32
    %broadcast_in_dim3A_116 = vector.broadcast %jit3A_115 : f32 to vector<256x2048xf32>
    %select_n3A_117 = arith.select %eq3A_114, %broadcast_in_dim3A_116, %select_n3A_101 : vector<256x2048xi1>, vector<256x2048xf32>
    %reduce_min3A_118 = arith.constant dense<0x7F800000> : vector<256xf32>
    %reduce_min3A_119 = vector.multi_reduction <minimumf>, %select_n3A_117, %reduce_min3A_118 [1] : vector<256x2048xf32> to vector<256xf32>
    %broadcast_in_dim3A_120 = vector.shape_cast %reduce_min3A_119 : vector<256xf32> to vector<256x1xf32>
    %eq3A_121 = vector.broadcast %broadcast_in_dim3A_120 : vector<256x1xf32> to vector<256x2048xf32>
    %eq3A_122 = arith.cmpf oeq, %select_n3A_117, %eq3A_121 : vector<256x2048xf32>
    %jit3A_123 = arith.constant 2048 : i32
    %broadcast_in_dim3A_124 = vector.broadcast %jit3A_123 : i32 to vector<256x2048xi32>
    %select_n3A_125 = arith.select %eq3A_122, %iota3A, %broadcast_in_dim3A_124 : vector<256x2048xi1>, vector<256x2048xi32>
    %reduce_min3A_126 = arith.constant dense<2147483647> : vector<256xi32>
    %reduce_min3A_127 = vector.multi_reduction <minsi>, %select_n3A_125, %reduce_min3A_126 [1] : vector<256x2048xi32> to vector<256xi32>
    %broadcast_in_dim3A_128 = vector.shape_cast %reduce_min3A_127 : vector<256xi32> to vector<256x1xi32>
    %eq3A_129 = vector.broadcast %broadcast_in_dim3A_128 : vector<256x1xi32> to vector<256x2048xi32>
    %eq3A_130 = arith.cmpi eq, %iota3A, %eq3A_129 : vector<256x2048xi32>
    %jit3A_131 = arith.constant 0x7F800000 : f32
    %broadcast_in_dim3A_132 = vector.broadcast %jit3A_131 : f32 to vector<256x2048xf32>
    %select_n3A_133 = arith.select %eq3A_130, %broadcast_in_dim3A_132, %select_n3A_117 : vector<256x2048xi1>, vector<256x2048xf32>
    %reduce_min3A_134 = arith.constant dense<0x7F800000> : vector<256xf32>
    %reduce_min3A_135 = vector.multi_reduction <minimumf>, %select_n3A_133, %reduce_min3A_134 [1] : vector<256x2048xf32> to vector<256xf32>
    %broadcast_in_dim3A_136 = vector.shape_cast %reduce_min3A_135 : vector<256xf32> to vector<256x1xf32>
    %eq3A_137 = vector.broadcast %broadcast_in_dim3A_136 : vector<256x1xf32> to vector<256x2048xf32>
    %eq3A_138 = arith.cmpf oeq, %select_n3A_133, %eq3A_137 : vector<256x2048xf32>
    %jit3A_139 = arith.constant 2048 : i32
    %broadcast_in_dim3A_140 = vector.broadcast %jit3A_139 : i32 to vector<256x2048xi32>
    %select_n3A_141 = arith.select %eq3A_138, %iota3A, %broadcast_in_dim3A_140 : vector<256x2048xi1>, vector<256x2048xi32>
    %reduce_min3A_142 = arith.constant dense<2147483647> : vector<256xi32>
    %reduce_min3A_143 = vector.multi_reduction <minsi>, %select_n3A_141, %reduce_min3A_142 [1] : vector<256x2048xi32> to vector<256xi32>
    %broadcast_in_dim3A_144 = vector.shape_cast %reduce_min3A_143 : vector<256xi32> to vector<256x1xi32>
    %eq3A_145 = vector.broadcast %broadcast_in_dim3A_144 : vector<256x1xi32> to vector<256x2048xi32>
    %eq3A_146 = arith.cmpi eq, %iota3A, %eq3A_145 : vector<256x2048xi32>
    %jit3A_147 = arith.constant 0x7F800000 : f32
    %broadcast_in_dim3A_148 = vector.broadcast %jit3A_147 : f32 to vector<256x2048xf32>
    %select_n3A_149 = arith.select %eq3A_146, %broadcast_in_dim3A_148, %select_n3A_133 : vector<256x2048xi1>, vector<256x2048xf32>
    %reduce_min3A_150 = arith.constant dense<0x7F800000> : vector<256xf32>
    %reduce_min3A_151 = vector.multi_reduction <minimumf>, %select_n3A_149, %reduce_min3A_150 [1] : vector<256x2048xf32> to vector<256xf32>
    %broadcast_in_dim3A_152 = vector.shape_cast %reduce_min3A_151 : vector<256xf32> to vector<256x1xf32>
    %eq3A_153 = vector.broadcast %broadcast_in_dim3A_152 : vector<256x1xf32> to vector<256x2048xf32>
    %eq3A_154 = arith.cmpf oeq, %select_n3A_149, %eq3A_153 : vector<256x2048xf32>
    %jit3A_155 = arith.constant 2048 : i32
    %broadcast_in_dim3A_156 = vector.broadcast %jit3A_155 : i32 to vector<256x2048xi32>
    %select_n3A_157 = arith.select %eq3A_154, %iota3A, %broadcast_in_dim3A_156 : vector<256x2048xi1>, vector<256x2048xi32>
    %reduce_min3A_158 = arith.constant dense<2147483647> : vector<256xi32>
    %reduce_min3A_159 = vector.multi_reduction <minsi>, %select_n3A_157, %reduce_min3A_158 [1] : vector<256x2048xi32> to vector<256xi32>
    %broadcast_in_dim3A_160 = vector.shape_cast %reduce_min3A_159 : vector<256xi32> to vector<256x1xi32>
    %eq3A_161 = vector.broadcast %broadcast_in_dim3A_160 : vector<256x1xi32> to vector<256x2048xi32>
    %eq3A_162 = arith.cmpi eq, %iota3A, %eq3A_161 : vector<256x2048xi32>
    %jit3A_163 = arith.constant 0x7F800000 : f32
    %broadcast_in_dim3A_164 = vector.broadcast %jit3A_163 : f32 to vector<256x2048xf32>
    %select_n3A_165 = arith.select %eq3A_162, %broadcast_in_dim3A_164, %select_n3A_149 : vector<256x2048xi1>, vector<256x2048xf32>
    %reduce_min3A_166 = arith.constant dense<0x7F800000> : vector<256xf32>
    %reduce_min3A_167 = vector.multi_reduction <minimumf>, %select_n3A_165, %reduce_min3A_166 [1] : vector<256x2048xf32> to vector<256xf32>
    %broadcast_in_dim3A_168 = vector.shape_cast %reduce_min3A_167 : vector<256xf32> to vector<256x1xf32>
    %eq3A_169 = vector.broadcast %broadcast_in_dim3A_168 : vector<256x1xf32> to vector<256x2048xf32>
    %eq3A_170 = arith.cmpf oeq, %select_n3A_165, %eq3A_169 : vector<256x2048xf32>
    %jit3A_171 = arith.constant 2048 : i32
    %broadcast_in_dim3A_172 = vector.broadcast %jit3A_171 : i32 to vector<256x2048xi32>
    %select_n3A_173 = arith.select %eq3A_170, %iota3A, %broadcast_in_dim3A_172 : vector<256x2048xi1>, vector<256x2048xi32>
    %reduce_min3A_174 = arith.constant dense<2147483647> : vector<256xi32>
    %reduce_min3A_175 = vector.multi_reduction <minsi>, %select_n3A_173, %reduce_min3A_174 [1] : vector<256x2048xi32> to vector<256xi32>
    %broadcast_in_dim3A_176 = vector.shape_cast %reduce_min3A_175 : vector<256xi32> to vector<256x1xi32>
    %eq3A_177 = vector.broadcast %broadcast_in_dim3A_176 : vector<256x1xi32> to vector<256x2048xi32>
    %eq3A_178 = arith.cmpi eq, %iota3A, %eq3A_177 : vector<256x2048xi32>
    %jit3A_179 = arith.constant 0x7F800000 : f32
    %broadcast_in_dim3A_180 = vector.broadcast %jit3A_179 : f32 to vector<256x2048xf32>
    %select_n3A_181 = arith.select %eq3A_178, %broadcast_in_dim3A_180, %select_n3A_165 : vector<256x2048xi1>, vector<256x2048xf32>
    %reduce_min3A_182 = arith.constant dense<0x7F800000> : vector<256xf32>
    %reduce_min3A_183 = vector.multi_reduction <minimumf>, %select_n3A_181, %reduce_min3A_182 [1] : vector<256x2048xf32> to vector<256xf32>
    %broadcast_in_dim3A_184 = vector.shape_cast %reduce_min3A_183 : vector<256xf32> to vector<256x1xf32>
    %eq3A_185 = vector.broadcast %broadcast_in_dim3A_184 : vector<256x1xf32> to vector<256x2048xf32>
    %eq3A_186 = arith.cmpf oeq, %select_n3A_181, %eq3A_185 : vector<256x2048xf32>
    %jit3A_187 = arith.constant 2048 : i32
    %broadcast_in_dim3A_188 = vector.broadcast %jit3A_187 : i32 to vector<256x2048xi32>
    %select_n3A_189 = arith.select %eq3A_186, %iota3A, %broadcast_in_dim3A_188 : vector<256x2048xi1>, vector<256x2048xi32>
    %reduce_min3A_190 = arith.constant dense<2147483647> : vector<256xi32>
    %reduce_min3A_191 = vector.multi_reduction <minsi>, %select_n3A_189, %reduce_min3A_190 [1] : vector<256x2048xi32> to vector<256xi32>
    %broadcast_in_dim3A_192 = vector.shape_cast %reduce_min3A_191 : vector<256xi32> to vector<256x1xi32>
    %eq3A_193 = vector.broadcast %broadcast_in_dim3A_192 : vector<256x1xi32> to vector<256x2048xi32>
    %eq3A_194 = arith.cmpi eq, %iota3A, %eq3A_193 : vector<256x2048xi32>
    %jit3A_195 = arith.constant 0x7F800000 : f32
    %broadcast_in_dim3A_196 = vector.broadcast %jit3A_195 : f32 to vector<256x2048xf32>
    %select_n3A_197 = arith.select %eq3A_194, %broadcast_in_dim3A_196, %select_n3A_181 : vector<256x2048xi1>, vector<256x2048xf32>
    %reduce_min3A_198 = arith.constant dense<0x7F800000> : vector<256xf32>
    %reduce_min3A_199 = vector.multi_reduction <minimumf>, %select_n3A_197, %reduce_min3A_198 [1] : vector<256x2048xf32> to vector<256xf32>
    %broadcast_in_dim3A_200 = vector.shape_cast %reduce_min3A_199 : vector<256xf32> to vector<256x1xf32>
    %eq3A_201 = vector.broadcast %broadcast_in_dim3A_200 : vector<256x1xf32> to vector<256x2048xf32>
    %eq3A_202 = arith.cmpf oeq, %select_n3A_197, %eq3A_201 : vector<256x2048xf32>
    %jit3A_203 = arith.constant 2048 : i32
    %broadcast_in_dim3A_204 = vector.broadcast %jit3A_203 : i32 to vector<256x2048xi32>
    %select_n3A_205 = arith.select %eq3A_202, %iota3A, %broadcast_in_dim3A_204 : vector<256x2048xi1>, vector<256x2048xi32>
    %reduce_min3A_206 = arith.constant dense<2147483647> : vector<256xi32>
    %reduce_min3A_207 = vector.multi_reduction <minsi>, %select_n3A_205, %reduce_min3A_206 [1] : vector<256x2048xi32> to vector<256xi32>
    %broadcast_in_dim3A_208 = vector.shape_cast %reduce_min3A_207 : vector<256xi32> to vector<256x1xi32>
    %eq3A_209 = vector.broadcast %broadcast_in_dim3A_208 : vector<256x1xi32> to vector<256x2048xi32>
    %eq3A_210 = arith.cmpi eq, %iota3A, %eq3A_209 : vector<256x2048xi32>
    %jit3A_211 = arith.constant 0x7F800000 : f32
    %broadcast_in_dim3A_212 = vector.broadcast %jit3A_211 : f32 to vector<256x2048xf32>
    %select_n3A_213 = arith.select %eq3A_210, %broadcast_in_dim3A_212, %select_n3A_197 : vector<256x2048xi1>, vector<256x2048xf32>
    %reduce_min3A_214 = arith.constant dense<0x7F800000> : vector<256xf32>
    %reduce_min3A_215 = vector.multi_reduction <minimumf>, %select_n3A_213, %reduce_min3A_214 [1] : vector<256x2048xf32> to vector<256xf32>
    %broadcast_in_dim3A_216 = vector.shape_cast %reduce_min3A_215 : vector<256xf32> to vector<256x1xf32>
    %eq3A_217 = vector.broadcast %broadcast_in_dim3A_216 : vector<256x1xf32> to vector<256x2048xf32>
    %eq3A_218 = arith.cmpf oeq, %select_n3A_213, %eq3A_217 : vector<256x2048xf32>
    %jit3A_219 = arith.constant 2048 : i32
    %broadcast_in_dim3A_220 = vector.broadcast %jit3A_219 : i32 to vector<256x2048xi32>
    %select_n3A_221 = arith.select %eq3A_218, %iota3A, %broadcast_in_dim3A_220 : vector<256x2048xi1>, vector<256x2048xi32>
    %reduce_min3A_222 = arith.constant dense<2147483647> : vector<256xi32>
    %reduce_min3A_223 = vector.multi_reduction <minsi>, %select_n3A_221, %reduce_min3A_222 [1] : vector<256x2048xi32> to vector<256xi32>
    %broadcast_in_dim3A_224 = vector.shape_cast %reduce_min3A_223 : vector<256xi32> to vector<256x1xi32>
    %eq3A_225 = vector.broadcast %broadcast_in_dim3A_224 : vector<256x1xi32> to vector<256x2048xi32>
    %eq3A_226 = arith.cmpi eq, %iota3A, %eq3A_225 : vector<256x2048xi32>
    %jit3A_227 = arith.constant 0x7F800000 : f32
    %broadcast_in_dim3A_228 = vector.broadcast %jit3A_227 : f32 to vector<256x2048xf32>
    %select_n3A_229 = arith.select %eq3A_226, %broadcast_in_dim3A_228, %select_n3A_213 : vector<256x2048xi1>, vector<256x2048xf32>
    %reduce_min3A_230 = arith.constant dense<0x7F800000> : vector<256xf32>
    %reduce_min3A_231 = vector.multi_reduction <minimumf>, %select_n3A_229, %reduce_min3A_230 [1] : vector<256x2048xf32> to vector<256xf32>
    %broadcast_in_dim3A_232 = vector.shape_cast %reduce_min3A_231 : vector<256xf32> to vector<256x1xf32>
    %eq3A_233 = vector.broadcast %broadcast_in_dim3A_232 : vector<256x1xf32> to vector<256x2048xf32>
    %eq3A_234 = arith.cmpf oeq, %select_n3A_229, %eq3A_233 : vector<256x2048xf32>
    %jit3A_235 = arith.constant 2048 : i32
    %broadcast_in_dim3A_236 = vector.broadcast %jit3A_235 : i32 to vector<256x2048xi32>
    %select_n3A_237 = arith.select %eq3A_234, %iota3A, %broadcast_in_dim3A_236 : vector<256x2048xi1>, vector<256x2048xi32>
    %reduce_min3A_238 = arith.constant dense<2147483647> : vector<256xi32>
    %reduce_min3A_239 = vector.multi_reduction <minsi>, %select_n3A_237, %reduce_min3A_238 [1] : vector<256x2048xi32> to vector<256xi32>
    %broadcast_in_dim3A_240 = vector.shape_cast %reduce_min3A_239 : vector<256xi32> to vector<256x1xi32>
    %eq3A_241 = vector.broadcast %broadcast_in_dim3A_240 : vector<256x1xi32> to vector<256x2048xi32>
    %eq3A_242 = arith.cmpi eq, %iota3A, %eq3A_241 : vector<256x2048xi32>
    %jit3A_243 = arith.constant 0x7F800000 : f32
    %broadcast_in_dim3A_244 = vector.broadcast %jit3A_243 : f32 to vector<256x2048xf32>
    %select_n3A_245 = arith.select %eq3A_242, %broadcast_in_dim3A_244, %select_n3A_229 : vector<256x2048xi1>, vector<256x2048xf32>
    %reduce_min3A_246 = arith.constant dense<0x7F800000> : vector<256xf32>
    %reduce_min3A_247 = vector.multi_reduction <minimumf>, %select_n3A_245, %reduce_min3A_246 [1] : vector<256x2048xf32> to vector<256xf32>
    %broadcast_in_dim3A_248 = vector.shape_cast %reduce_min3A_247 : vector<256xf32> to vector<256x1xf32>
    %eq3A_249 = vector.broadcast %broadcast_in_dim3A_248 : vector<256x1xf32> to vector<256x2048xf32>
    %eq3A_250 = arith.cmpf oeq, %select_n3A_245, %eq3A_249 : vector<256x2048xf32>
    %jit3A_251 = arith.constant 2048 : i32
    %broadcast_in_dim3A_252 = vector.broadcast %jit3A_251 : i32 to vector<256x2048xi32>
    %select_n3A_253 = arith.select %eq3A_250, %iota3A, %broadcast_in_dim3A_252 : vector<256x2048xi1>, vector<256x2048xi32>
    %reduce_min3A_254 = arith.constant dense<2147483647> : vector<256xi32>
    %reduce_min3A_255 = vector.multi_reduction <minsi>, %select_n3A_253, %reduce_min3A_254 [1] : vector<256x2048xi32> to vector<256xi32>
    %broadcast_in_dim3A_256 = vector.shape_cast %reduce_min3A_255 : vector<256xi32> to vector<256x1xi32>
    %eq3A_257 = vector.broadcast %broadcast_in_dim3A_256 : vector<256x1xi32> to vector<256x2048xi32>
    %eq3A_258 = arith.cmpi eq, %iota3A, %eq3A_257 : vector<256x2048xi32>
    %jit3A_259 = arith.constant 0x7F800000 : f32
    %broadcast_in_dim3A_260 = vector.broadcast %jit3A_259 : f32 to vector<256x2048xf32>
    %select_n3A_261 = arith.select %eq3A_258, %broadcast_in_dim3A_260, %select_n3A_245 : vector<256x2048xi1>, vector<256x2048xf32>
    %reduce_min3A_262 = arith.constant dense<0x7F800000> : vector<256xf32>
    %reduce_min3A_263 = vector.multi_reduction <minimumf>, %select_n3A_261, %reduce_min3A_262 [1] : vector<256x2048xf32> to vector<256xf32>
    %broadcast_in_dim3A_264 = vector.shape_cast %reduce_min3A_263 : vector<256xf32> to vector<256x1xf32>
    %eq3A_265 = vector.broadcast %broadcast_in_dim3A_264 : vector<256x1xf32> to vector<256x2048xf32>
    %eq3A_266 = arith.cmpf oeq, %select_n3A_261, %eq3A_265 : vector<256x2048xf32>
    %jit3A_267 = arith.constant 2048 : i32
    %broadcast_in_dim3A_268 = vector.broadcast %jit3A_267 : i32 to vector<256x2048xi32>
    %select_n3A_269 = arith.select %eq3A_266, %iota3A, %broadcast_in_dim3A_268 : vector<256x2048xi1>, vector<256x2048xi32>
    %reduce_min3A_270 = arith.constant dense<2147483647> : vector<256xi32>
    %reduce_min3A_271 = vector.multi_reduction <minsi>, %select_n3A_269, %reduce_min3A_270 [1] : vector<256x2048xi32> to vector<256xi32>
    %broadcast_in_dim3A_272 = vector.shape_cast %reduce_min3A_271 : vector<256xi32> to vector<256x1xi32>
    %eq3A_273 = vector.broadcast %broadcast_in_dim3A_272 : vector<256x1xi32> to vector<256x2048xi32>
    %eq3A_274 = arith.cmpi eq, %iota3A, %eq3A_273 : vector<256x2048xi32>
    %jit3A_275 = arith.constant 0x7F800000 : f32
    %broadcast_in_dim3A_276 = vector.broadcast %jit3A_275 : f32 to vector<256x2048xf32>
    %select_n3A_277 = arith.select %eq3A_274, %broadcast_in_dim3A_276, %select_n3A_261 : vector<256x2048xi1>, vector<256x2048xf32>
    %reduce_min3A_278 = arith.constant dense<0x7F800000> : vector<256xf32>
    %reduce_min3A_279 = vector.multi_reduction <minimumf>, %select_n3A_277, %reduce_min3A_278 [1] : vector<256x2048xf32> to vector<256xf32>
    %broadcast_in_dim3A_280 = vector.shape_cast %reduce_min3A_279 : vector<256xf32> to vector<256x1xf32>
    %eq3A_281 = vector.broadcast %broadcast_in_dim3A_280 : vector<256x1xf32> to vector<256x2048xf32>
    %eq3A_282 = arith.cmpf oeq, %select_n3A_277, %eq3A_281 : vector<256x2048xf32>
    %jit3A_283 = arith.constant 2048 : i32
    %broadcast_in_dim3A_284 = vector.broadcast %jit3A_283 : i32 to vector<256x2048xi32>
    %select_n3A_285 = arith.select %eq3A_282, %iota3A, %broadcast_in_dim3A_284 : vector<256x2048xi1>, vector<256x2048xi32>
    %reduce_min3A_286 = arith.constant dense<2147483647> : vector<256xi32>
    %reduce_min3A_287 = vector.multi_reduction <minsi>, %select_n3A_285, %reduce_min3A_286 [1] : vector<256x2048xi32> to vector<256xi32>
    %broadcast_in_dim3A_288 = vector.shape_cast %reduce_min3A_287 : vector<256xi32> to vector<256x1xi32>
    %eq3A_289 = vector.broadcast %broadcast_in_dim3A_288 : vector<256x1xi32> to vector<256x2048xi32>
    %eq3A_290 = arith.cmpi eq, %iota3A, %eq3A_289 : vector<256x2048xi32>
    %jit3A_291 = arith.constant 0x7F800000 : f32
    %broadcast_in_dim3A_292 = vector.broadcast %jit3A_291 : f32 to vector<256x2048xf32>
    %select_n3A_293 = arith.select %eq3A_290, %broadcast_in_dim3A_292, %select_n3A_277 : vector<256x2048xi1>, vector<256x2048xf32>
    %reduce_min3A_294 = arith.constant dense<0x7F800000> : vector<256xf32>
    %reduce_min3A_295 = vector.multi_reduction <minimumf>, %select_n3A_293, %reduce_min3A_294 [1] : vector<256x2048xf32> to vector<256xf32>
    %broadcast_in_dim3A_296 = vector.shape_cast %reduce_min3A_295 : vector<256xf32> to vector<256x1xf32>
    %eq3A_297 = vector.broadcast %broadcast_in_dim3A_296 : vector<256x1xf32> to vector<256x2048xf32>
    %eq3A_298 = arith.cmpf oeq, %select_n3A_293, %eq3A_297 : vector<256x2048xf32>
    %jit3A_299 = arith.constant 2048 : i32
    %broadcast_in_dim3A_300 = vector.broadcast %jit3A_299 : i32 to vector<256x2048xi32>
    %select_n3A_301 = arith.select %eq3A_298, %iota3A, %broadcast_in_dim3A_300 : vector<256x2048xi1>, vector<256x2048xi32>
    %reduce_min3A_302 = arith.constant dense<2147483647> : vector<256xi32>
    %reduce_min3A_303 = vector.multi_reduction <minsi>, %select_n3A_301, %reduce_min3A_302 [1] : vector<256x2048xi32> to vector<256xi32>
    %broadcast_in_dim3A_304 = vector.shape_cast %reduce_min3A_303 : vector<256xi32> to vector<256x1xi32>
    %eq3A_305 = vector.broadcast %broadcast_in_dim3A_304 : vector<256x1xi32> to vector<256x2048xi32>
    %eq3A_306 = arith.cmpi eq, %iota3A, %eq3A_305 : vector<256x2048xi32>
    %jit3A_307 = arith.constant 0x7F800000 : f32
    %broadcast_in_dim3A_308 = vector.broadcast %jit3A_307 : f32 to vector<256x2048xf32>
    %select_n3A_309 = arith.select %eq3A_306, %broadcast_in_dim3A_308, %select_n3A_293 : vector<256x2048xi1>, vector<256x2048xf32>
    %reduce_min3A_310 = arith.constant dense<0x7F800000> : vector<256xf32>
    %reduce_min3A_311 = vector.multi_reduction <minimumf>, %select_n3A_309, %reduce_min3A_310 [1] : vector<256x2048xf32> to vector<256xf32>
    %broadcast_in_dim3A_312 = vector.shape_cast %reduce_min3A_311 : vector<256xf32> to vector<256x1xf32>
    %eq3A_313 = vector.broadcast %broadcast_in_dim3A_312 : vector<256x1xf32> to vector<256x2048xf32>
    %eq3A_314 = arith.cmpf oeq, %select_n3A_309, %eq3A_313 : vector<256x2048xf32>
    %jit3A_315 = arith.constant 2048 : i32
    %broadcast_in_dim3A_316 = vector.broadcast %jit3A_315 : i32 to vector<256x2048xi32>
    %select_n3A_317 = arith.select %eq3A_314, %iota3A, %broadcast_in_dim3A_316 : vector<256x2048xi1>, vector<256x2048xi32>
    %reduce_min3A_318 = arith.constant dense<2147483647> : vector<256xi32>
    %reduce_min3A_319 = vector.multi_reduction <minsi>, %select_n3A_317, %reduce_min3A_318 [1] : vector<256x2048xi32> to vector<256xi32>
    %broadcast_in_dim3A_320 = vector.shape_cast %reduce_min3A_319 : vector<256xi32> to vector<256x1xi32>
    %eq3A_321 = vector.broadcast %broadcast_in_dim3A_320 : vector<256x1xi32> to vector<256x2048xi32>
    %eq3A_322 = arith.cmpi eq, %iota3A, %eq3A_321 : vector<256x2048xi32>
    %jit3A_323 = arith.constant 0x7F800000 : f32
    %broadcast_in_dim3A_324 = vector.broadcast %jit3A_323 : f32 to vector<256x2048xf32>
    %select_n3A_325 = arith.select %eq3A_322, %broadcast_in_dim3A_324, %select_n3A_309 : vector<256x2048xi1>, vector<256x2048xf32>
    %reduce_min3A_326 = arith.constant dense<0x7F800000> : vector<256xf32>
    %reduce_min3A_327 = vector.multi_reduction <minimumf>, %select_n3A_325, %reduce_min3A_326 [1] : vector<256x2048xf32> to vector<256xf32>
    %broadcast_in_dim3A_328 = vector.shape_cast %reduce_min3A_327 : vector<256xf32> to vector<256x1xf32>
    %eq3A_329 = vector.broadcast %broadcast_in_dim3A_328 : vector<256x1xf32> to vector<256x2048xf32>
    %eq3A_330 = arith.cmpf oeq, %select_n3A_325, %eq3A_329 : vector<256x2048xf32>
    %jit3A_331 = arith.constant 2048 : i32
    %broadcast_in_dim3A_332 = vector.broadcast %jit3A_331 : i32 to vector<256x2048xi32>
    %select_n3A_333 = arith.select %eq3A_330, %iota3A, %broadcast_in_dim3A_332 : vector<256x2048xi1>, vector<256x2048xi32>
    %reduce_min3A_334 = arith.constant dense<2147483647> : vector<256xi32>
    %reduce_min3A_335 = vector.multi_reduction <minsi>, %select_n3A_333, %reduce_min3A_334 [1] : vector<256x2048xi32> to vector<256xi32>
    %broadcast_in_dim3A_336 = vector.shape_cast %reduce_min3A_335 : vector<256xi32> to vector<256x1xi32>
    %concatenate3A_337 = tpu.concatenate %broadcast_in_dim3A_96, %broadcast_in_dim3A_112, %broadcast_in_dim3A_128, %broadcast_in_dim3A_144, %broadcast_in_dim3A_160, %broadcast_in_dim3A_176, %broadcast_in_dim3A_192, %broadcast_in_dim3A_208, %broadcast_in_dim3A_224, %broadcast_in_dim3A_240, %broadcast_in_dim3A_256, %broadcast_in_dim3A_272, %broadcast_in_dim3A_288, %broadcast_in_dim3A_304, %broadcast_in_dim3A_320, %broadcast_in_dim3A_336 in 1 : vector<256x1xi32>, vector<256x1xi32>, vector<256x1xi32>, vector<256x1xi32>, vector<256x1xi32>, vector<256x1xi32>, vector<256x1xi32>, vector<256x1xi32>, vector<256x1xi32>, vector<256x1xi32>, vector<256x1xi32>, vector<256x1xi32>, vector<256x1xi32>, vector<256x1xi32>, vector<256x1xi32>, vector<256x1xi32> -> vector<256x16xi32>
    %mul3A_338 = arith.constant 2048 : i32
    %mul3A_339 = arith.muli %arg0, %mul3A_338 : i32
    %add3A_340 = vector.broadcast %mul3A_339 : i32 to vector<256x16xi32>
    %add3A_341 = arith.addi %concatenate3A_337, %add3A_340 : vector<256x16xi32>
    %swap3A_342 = arith.constant 0 : index
    %swap3A_343 = arith.constant 0 : index
    %swap3A_344 = arith.constant 0 : index
    %swap3A_345 = vector.load %arg15[%swap3A_342, %swap3A_343, %swap3A_344] : memref<1x256x16xi32, #tpu.memory_space<vmem>>, vector<1x256x16xi32>
    %swap3A_346 = vector.shape_cast %swap3A_345 : vector<1x256x16xi32> to vector<256x16xi32>
    %swap3A_347 = vector.shape_cast %add3A_341 : vector<256x16xi32> to vector<1x256x16xi32>
    tpu.vector_store %arg15[%swap3A_342, %swap3A_343, %swap3A_344], %swap3A_347 {strides = array<i32>} : memref<1x256x16xi32, #tpu.memory_space<vmem>>, vector<1x256x16xi32>,
    return
  }
  func.func @transform_0(%arg0: i32, %arg1: i32) -> (i32, i32, i32) {
    %c0_i32 = arith.constant 0 : i32
    %c0_i32_0 = arith.constant 0 : i32
    %c0_i32_1 = arith.constant 0 : i32
    return %arg0, %c0_i32, %c0_i32_0 : i32, i32, i32
  }
  func.func @transform_1(%arg0: i32, %arg1: i32) -> (i32, i32, i32) {
    %c0_i32 = arith.constant 0 : i32
    %c0_i32_0 = arith.constant 0 : i32
    return %arg0, %arg1, %c0_i32 : i32, i32, i32
  }
  func.func @transform_2(%arg0: i32, %arg1: i32) -> (i32, i32, i32) {
    %c0_i32 = arith.constant 0 : i32
    %c0_i32_0 = arith.constant 0 : i32
    return %arg0, %arg1, %c0_i32 : i32, i32, i32
  }
  func.func @transform_3(%arg0: i32, %arg1: i32) -> (i32, i32) {
    %c0_i32 = arith.constant 0 : i32
    %c0_i32_0 = arith.constant 0 : i32
    %c0_i32_1 = arith.constant 0 : i32
    return %c0_i32, %c0_i32_0 : i32, i32
  }
  func.func @transform_4(%arg0: i32, %arg1: i32) -> (i32, i32) {
    %c0_i32 = arith.constant 0 : i32
    %c0_i32_0 = arith.constant 0 : i32
    %c0_i32_1 = arith.constant 0 : i32
    return %c0_i32, %c0_i32_0 : i32, i32
  }
  func.func @transform_5(%arg0: i32, %arg1: i32) -> (i32, i32) {
    %c0_i32 = arith.constant 0 : i32
    %c0_i32_0 = arith.constant 0 : i32
    %c0_i32_1 = arith.constant 0 : i32
    return %c0_i32, %c0_i32_0 : i32, i32
  }
  func.func @transform_6(%arg0: i32, %arg1: i32) -> (i32, i32) {
    %c0_i32 = arith.constant 0 : i32
    %c0_i32_0 = arith.constant 0 : i32
    %c0_i32_1 = arith.constant 0 : i32
    return %c0_i32, %c0_i32_0 : i32, i32
  }
  func.func @transform_7(%arg0: i32, %arg1: i32) -> (i32, i32) {
    %c0_i32 = arith.constant 0 : i32
    %c0_i32_0 = arith.constant 0 : i32
    %c0_i32_1 = arith.constant 0 : i32
    return %c0_i32, %c0_i32_0 : i32, i32
  }
  func.func @transform_8(%arg0: i32, %arg1: i32) -> (i32, i32) {
    %c0_i32 = arith.constant 0 : i32
    %c0_i32_0 = arith.constant 0 : i32
    %c0_i32_1 = arith.constant 0 : i32
    return %c0_i32, %c0_i32_0 : i32, i32
  }
  func.func @transform_9(%arg0: i32, %arg1: i32) -> (i32, i32, i32) {
    %c0_i32 = arith.constant 0 : i32
    %c0_i32_0 = arith.constant 0 : i32
    return %arg0, %arg1, %c0_i32 : i32, i32, i32
  }
  func.func @transform_10(%arg0: i32, %arg1: i32) -> (i32, i32, i32) {
    %c0_i32 = arith.constant 0 : i32
    %c0_i32_0 = arith.constant 0 : i32
    return %arg0, %arg1, %c0_i32 : i32, i32, i32
  }
  func.func @transform_11(%arg0: i32, %arg1: i32) -> (i32, i32, i32) {
    %c0_i32 = arith.constant 0 : i32
    %c0_i32_0 = arith.constant 0 : i32
    return %arg0, %arg1, %c0_i32 : i32, i32, i32
  }
  func.func @transform_12(%arg0: i32, %arg1: i32) -> (i32, i32, i32) {
    %c0_i32 = arith.constant 0 : i32
    %c0_i32_0 = arith.constant 0 : i32
    return %arg0, %arg1, %c0_i32 : i32, i32, i32
  }
  func.func @transform_13(%arg0: i32, %arg1: i32) -> (i32, i32, i32) {
    %c0_i32 = arith.constant 0 : i32
    %c0_i32_0 = arith.constant 0 : i32
    return %arg0, %arg1, %c0_i32 : i32, i32, i32
  }
}

module attributes {stable_mosaic.version = 14 : i64} {
  func.func @_attn_body(%arg0: i32, %arg1: memref<1x256x128xf32, #tpu.memory_space<vmem>>, %arg2: memref<1x256x128xf32, #tpu.memory_space<vmem>>, %arg3: memref<1x256x128xf32, #tpu.memory_space<vmem>>, %arg4: memref<1x4096x128xf32, #tpu.memory_space<vmem>>, %arg5: memref<1x4096x128xf32, #tpu.memory_space<vmem>>, %arg6: memref<1x4096x128xf32, #tpu.memory_space<vmem>>, %arg7: memref<1x128xf32, #tpu.memory_space<vmem>>, %arg8: memref<128x128xf32, #tpu.memory_space<vmem>>, %arg9: memref<1x128xf32, #tpu.memory_space<vmem>>, %arg10: memref<128x128xf32, #tpu.memory_space<vmem>>, %arg11: memref<1x128xf32, #tpu.memory_space<vmem>>, %arg12: memref<128x128xf32, #tpu.memory_space<vmem>>, %arg13: memref<1x128xf32, #tpu.memory_space<vmem>>, %arg14: memref<128x128xf32, #tpu.memory_space<vmem>>, %arg15: memref<1x128xf32, #tpu.memory_space<vmem>>, %arg16: memref<1x4096x128xf32, #tpu.memory_space<vmem>>, %arg17: memref<1x256x128xf32, #tpu.memory_space<vmem>>) attributes {dimension_semantics = [#tpu.dimension_semantics<arbitrary>], iteration_bounds = array<i64: 32>, scalar_prefetch = 0 : i64, scratch_operands = 0 : i64, tpu.core_type = #tpu.core_type<tc>, window_params = [{transform_indices = @transform_0, window_bounds = array<i64: 1, 256, 128>}, {transform_indices = @transform_1, window_bounds = array<i64: 1, 256, 128>}, {transform_indices = @transform_2, window_bounds = array<i64: 1, 256, 128>}, {transform_indices = @transform_3, window_bounds = array<i64: 1, 4096, 128>}, {transform_indices = @transform_4, window_bounds = array<i64: 1, 4096, 128>}, {transform_indices = @transform_5, window_bounds = array<i64: 1, 4096, 128>}, {pipeline_mode = #tpu.pipeline_mode<synchronous>, transform_indices = @transform_6, window_bounds = array<i64: 1, 128>}, {pipeline_mode = #tpu.pipeline_mode<synchronous>, transform_indices = @transform_7, window_bounds = array<i64: 128, 128>}, {pipeline_mode = #tpu.pipeline_mode<synchronous>, transform_indices = @transform_8, window_bounds = array<i64: 1, 128>}, {pipeline_mode = #tpu.pipeline_mode<synchronous>, transform_indices = @transform_9, window_bounds = array<i64: 128, 128>}, {pipeline_mode = #tpu.pipeline_mode<synchronous>, transform_indices = @transform_10, window_bounds = array<i64: 1, 128>}, {pipeline_mode = #tpu.pipeline_mode<synchronous>, transform_indices = @transform_11, window_bounds = array<i64: 128, 128>}, {pipeline_mode = #tpu.pipeline_mode<synchronous>, transform_indices = @transform_12, window_bounds = array<i64: 1, 128>}, {pipeline_mode = #tpu.pipeline_mode<synchronous>, transform_indices = @transform_13, window_bounds = array<i64: 128, 128>}, {pipeline_mode = #tpu.pipeline_mode<synchronous>, transform_indices = @transform_14, window_bounds = array<i64: 1, 128>}, {transform_indices = @transform_15, window_bounds = array<i64: 1, 4096, 128>}, {transform_indices = @transform_16, window_bounds = array<i64: 1, 256, 128>}]} {
    %get3A = arith.constant 0 : index
    %get3A_0 = arith.constant 0 : index
    %get3A_1 = arith.constant 0 : index
    %get3A_2 = vector.load %arg1[%get3A, %get3A_0, %get3A_1] : memref<1x256x128xf32, #tpu.memory_space<vmem>>, vector<1x256x128xf32>
    %get3A_3 = vector.shape_cast %get3A_2 : vector<1x256x128xf32> to vector<256x128xf32>
    %get3A_4 = arith.constant 0 : index
    %get3A_5 = arith.constant 0 : index
    %get3A_6 = arith.constant 0 : index
    %get3A_7 = vector.load %arg4[%get3A_4, %get3A_5, %get3A_6] : memref<1x4096x128xf32, #tpu.memory_space<vmem>>, vector<1x4096x128xf32>
    %get3A_8 = vector.shape_cast %get3A_7 : vector<1x4096x128xf32> to vector<4096x128xf32>
    %get3A_9 = arith.constant 0 : index
    %get3A_10 = arith.constant 0 : index
    %get3A_11 = arith.constant 0 : index
    %get3A_12 = vector.load %arg5[%get3A_9, %get3A_10, %get3A_11] : memref<1x4096x128xf32, #tpu.memory_space<vmem>>, vector<1x4096x128xf32>
    %get3A_13 = vector.shape_cast %get3A_12 : vector<1x4096x128xf32> to vector<4096x128xf32>
    %get3A_14 = arith.constant 0 : index
    %get3A_15 = arith.constant 0 : index
    %get3A_16 = arith.constant 0 : index
    %get3A_17 = vector.load %arg6[%get3A_14, %get3A_15, %get3A_16] : memref<1x4096x128xf32, #tpu.memory_space<vmem>>, vector<1x4096x128xf32>
    %get3A_18 = vector.shape_cast %get3A_17 : vector<1x4096x128xf32> to vector<4096x128xf32>
    %get3A_19 = arith.constant 0 : index
    %get3A_20 = arith.constant 0 : index
    %get3A_21 = arith.constant 0 : index
    %get3A_22 = vector.load %arg3[%get3A_19, %get3A_20, %get3A_21] : memref<1x256x128xf32, #tpu.memory_space<vmem>>, vector<1x256x128xf32>
    %get3A_23 = vector.shape_cast %get3A_22 : vector<1x256x128xf32> to vector<256x128xf32>
    %get3A_24 = arith.constant 0 : index
    %get3A_25 = arith.constant 0 : index
    %get3A_26 = vector.load %arg7[%get3A_24, %get3A_25] : memref<1x128xf32, #tpu.memory_space<vmem>>, vector<1x128xf32>
    %add3A = vector.broadcast %get3A_26 : vector<1x128xf32> to vector<256x128xf32>
    %add3A_27 = arith.addf %get3A_23, %add3A : vector<256x128xf32>
    %broadcast_in_dim3A = vector.shape_cast %add3A_27 : vector<256x128xf32> to vector<256x1x128xf32>
    %reshape3A = vector.shape_cast %get3A_18 : vector<4096x128xf32> to vector<256x16x128xf32>
    %sub3A = vector.broadcast %broadcast_in_dim3A : vector<256x1x128xf32> to vector<256x16x128xf32>
    %sub3A_28 = arith.subf %sub3A, %reshape3A : vector<256x16x128xf32>
    %max3A = arith.constant 0.000000e+00 : f32
    %max3A_29 = vector.broadcast %max3A : f32 to vector<256x16x128xf32>
    %max3A_30 = arith.maximumf %sub3A_28, %max3A_29 : vector<256x16x128xf32>
    %reshape3A_31 = vector.shape_cast %max3A_30 : vector<256x16x128xf32> to vector<4096x128xf32>
    %get3A_32 = arith.constant 0 : index
    %get3A_33 = arith.constant 0 : index
    %get3A_34 = vector.load %arg8[%get3A_32, %get3A_33] : memref<128x128xf32, #tpu.memory_space<vmem>>, vector<128x128xf32>
    %dot_general3A = arith.constant dense<0.000000e+00> : vector<4096x128xf32>
    %dot_general3A_35 = tpu.matmul %reshape3A_31, %get3A_34, %dot_general3A {dimension_numbers = #tpu.dot_dimension_numbers<[1], [0], [0], [1], [0, 0, 1, 1], [], []>, transpose_lhs_hint = false} : vector<4096x128xf32>, vector<128x128xf32>, vector<4096x128xf32> -> vector<4096x128xf32>
    %get3A_36 = arith.constant 0 : index
    %get3A_37 = arith.constant 0 : index
    %get3A_38 = vector.load %arg9[%get3A_36, %get3A_37] : memref<1x128xf32, #tpu.memory_space<vmem>>, vector<1x128xf32>
    %add3A_39 = vector.broadcast %get3A_38 : vector<1x128xf32> to vector<4096x128xf32>
    %add3A_40 = arith.addf %dot_general3A_35, %add3A_39 : vector<4096x128xf32>
    %reshape3A_41 = vector.shape_cast %add3A_40 : vector<4096x128xf32> to vector<256x16x128xf32>
    %broadcast_in_dim3A_42 = vector.shape_cast %get3A_3 : vector<256x128xf32> to vector<256x1x128xf32>
    %reshape3A_43 = vector.shape_cast %get3A_8 : vector<4096x128xf32> to vector<256x16x128xf32>
    %sub3A_44 = vector.broadcast %broadcast_in_dim3A_42 : vector<256x1x128xf32> to vector<256x16x128xf32>
    %sub3A_45 = arith.subf %sub3A_44, %reshape3A_43 : vector<256x16x128xf32>
    %add3A_46 = arith.addf %sub3A_45, %reshape3A_41 : vector<256x16x128xf32>
    %reshape3A_47 = vector.shape_cast %add3A_46 : vector<256x16x128xf32> to vector<4096x128xf32>
    %get3A_48 = arith.constant 0 : index
    %get3A_49 = arith.constant 0 : index
    %get3A_50 = vector.load %arg10[%get3A_48, %get3A_49] : memref<128x128xf32, #tpu.memory_space<vmem>>, vector<128x128xf32>
    %dot_general3A_51 = arith.constant dense<0.000000e+00> : vector<4096x128xf32>
    %dot_general3A_52 = tpu.matmul %reshape3A_47, %get3A_50, %dot_general3A_51 {dimension_numbers = #tpu.dot_dimension_numbers<[1], [0], [0], [1], [0, 0, 1, 1], [], []>, transpose_lhs_hint = false} : vector<4096x128xf32>, vector<128x128xf32>, vector<4096x128xf32> -> vector<4096x128xf32>
    %get3A_53 = arith.constant 0 : index
    %get3A_54 = arith.constant 0 : index
    %get3A_55 = vector.load %arg11[%get3A_53, %get3A_54] : memref<1x128xf32, #tpu.memory_space<vmem>>, vector<1x128xf32>
    %add3A_56 = vector.broadcast %get3A_55 : vector<1x128xf32> to vector<4096x128xf32>
    %add3A_57 = arith.addf %dot_general3A_52, %add3A_56 : vector<4096x128xf32>
    %max3A_58 = arith.constant 0.000000e+00 : f32
    %max3A_59 = vector.broadcast %max3A_58 : f32 to vector<4096x128xf32>
    %max3A_60 = arith.maximumf %add3A_57, %max3A_59 : vector<4096x128xf32>
    %get3A_61 = arith.constant 0 : index
    %get3A_62 = arith.constant 0 : index
    %get3A_63 = vector.load %arg12[%get3A_61, %get3A_62] : memref<128x128xf32, #tpu.memory_space<vmem>>, vector<128x128xf32>
    %dot_general3A_64 = arith.constant dense<0.000000e+00> : vector<4096x128xf32>
    %dot_general3A_65 = tpu.matmul %max3A_60, %get3A_63, %dot_general3A_64 {dimension_numbers = #tpu.dot_dimension_numbers<[1], [0], [0], [1], [0, 0, 1, 1], [], []>, transpose_lhs_hint = false} : vector<4096x128xf32>, vector<128x128xf32>, vector<4096x128xf32> -> vector<4096x128xf32>
    %get3A_66 = arith.constant 0 : index
    %get3A_67 = arith.constant 0 : index
    %get3A_68 = vector.load %arg13[%get3A_66, %get3A_67] : memref<1x128xf32, #tpu.memory_space<vmem>>, vector<1x128xf32>
    %add3A_69 = vector.broadcast %get3A_68 : vector<1x128xf32> to vector<4096x128xf32>
    %add3A_70 = arith.addf %dot_general3A_65, %add3A_69 : vector<4096x128xf32>
    %div3A = arith.constant 11.3137083 : f32
    %div3A_71 = vector.broadcast %div3A : f32 to vector<4096x128xf32>
    %div3A_72 = arith.divf %add3A_70, %div3A_71 : vector<4096x128xf32>
    %reshape3A_73 = vector.shape_cast %div3A_72 : vector<4096x128xf32> to vector<256x16x128xf32>
    %reduce_max3A = arith.constant dense<0xFF800000> : vector<256x128xf32>
    %reduce_max3A_74 = vector.multi_reduction <maximumf>, %reshape3A_73, %reduce_max3A [1] : vector<256x16x128xf32> to vector<256x128xf32>
    %broadcast_in_dim3A_75 = vector.shape_cast %reduce_max3A_74 : vector<256x128xf32> to vector<256x1x128xf32>
    %sub3A_76 = vector.broadcast %broadcast_in_dim3A_75 : vector<256x1x128xf32> to vector<256x16x128xf32>
    %sub3A_77 = arith.subf %reshape3A_73, %sub3A_76 : vector<256x16x128xf32>
    %exp3A = math.exp %sub3A_77 : vector<256x16x128xf32>
    %reduce_sum3A = arith.constant dense<0.000000e+00> : vector<256x128xf32>
    %reduce_sum3A_78 = vector.multi_reduction <add>, %exp3A, %reduce_sum3A [1] : vector<256x16x128xf32> to vector<256x128xf32>
    %broadcast_in_dim3A_79 = vector.shape_cast %reduce_sum3A_78 : vector<256x128xf32> to vector<256x1x128xf32>
    %div3A_80 = vector.broadcast %broadcast_in_dim3A_79 : vector<256x1x128xf32> to vector<256x16x128xf32>
    %div3A_81 = arith.divf %exp3A, %div3A_80 : vector<256x16x128xf32>
    %reshape3A_82 = vector.shape_cast %div3A_81 : vector<256x16x128xf32> to vector<4096x128xf32>
    %swap3A = arith.constant 0 : index
    %swap3A_83 = arith.constant 0 : index
    %swap3A_84 = arith.constant 0 : index
    %swap3A_85 = vector.load %arg16[%swap3A, %swap3A_83, %swap3A_84] : memref<1x4096x128xf32, #tpu.memory_space<vmem>>, vector<1x4096x128xf32>
    %swap3A_86 = vector.shape_cast %swap3A_85 : vector<1x4096x128xf32> to vector<4096x128xf32>
    %swap3A_87 = vector.shape_cast %reshape3A_82 : vector<4096x128xf32> to vector<1x4096x128xf32>
    tpu.vector_store %arg16[%swap3A, %swap3A_83, %swap3A_84], %swap3A_87 {strides = array<i32>} : memref<1x4096x128xf32, #tpu.memory_space<vmem>>, vector<1x4096x128xf32>,
    %reshape3A_88 = vector.shape_cast %get3A_13 : vector<4096x128xf32> to vector<256x16x128xf32>
    %add3A_89 = arith.addf %reshape3A_88, %reshape3A_41 : vector<256x16x128xf32>
    %mul3A = arith.mulf %div3A_81, %add3A_89 : vector<256x16x128xf32>
    %reduce_sum3A_90 = arith.constant dense<0.000000e+00> : vector<256x128xf32>
    %reduce_sum3A_91 = vector.multi_reduction <add>, %mul3A, %reduce_sum3A_90 [1] : vector<256x16x128xf32> to vector<256x128xf32>
    %get3A_92 = arith.constant 0 : index
    %get3A_93 = arith.constant 0 : index
    %get3A_94 = vector.load %arg14[%get3A_92, %get3A_93] : memref<128x128xf32, #tpu.memory_space<vmem>>, vector<128x128xf32>
    %dot_general3A_95 = arith.constant dense<0.000000e+00> : vector<256x128xf32>
    %dot_general3A_96 = tpu.matmul %reduce_sum3A_91, %get3A_94, %dot_general3A_95 {dimension_numbers = #tpu.dot_dimension_numbers<[1], [0], [0], [1], [0, 0, 1, 1], [], []>, transpose_lhs_hint = false} : vector<256x128xf32>, vector<128x128xf32>, vector<256x128xf32> -> vector<256x128xf32>
    %get3A_97 = arith.constant 0 : index
    %get3A_98 = arith.constant 0 : index
    %get3A_99 = vector.load %arg15[%get3A_97, %get3A_98] : memref<1x128xf32, #tpu.memory_space<vmem>>, vector<1x128xf32>
    %add3A_100 = vector.broadcast %get3A_99 : vector<1x128xf32> to vector<256x128xf32>
    %add3A_101 = arith.addf %dot_general3A_96, %add3A_100 : vector<256x128xf32>
    %get3A_102 = arith.constant 0 : index
    %get3A_103 = arith.constant 0 : index
    %get3A_104 = arith.constant 0 : index
    %get3A_105 = vector.load %arg2[%get3A_102, %get3A_103, %get3A_104] : memref<1x256x128xf32, #tpu.memory_space<vmem>>, vector<1x256x128xf32>
    %get3A_106 = vector.shape_cast %get3A_105 : vector<1x256x128xf32> to vector<256x128xf32>
    %add3A_107 = arith.addf %add3A_101, %get3A_106 : vector<256x128xf32>
    %swap3A_108 = arith.constant 0 : index
    %swap3A_109 = arith.constant 0 : index
    %swap3A_110 = arith.constant 0 : index
    %swap3A_111 = vector.load %arg17[%swap3A_108, %swap3A_109, %swap3A_110] : memref<1x256x128xf32, #tpu.memory_space<vmem>>, vector<1x256x128xf32>
    %swap3A_112 = vector.shape_cast %swap3A_111 : vector<1x256x128xf32> to vector<256x128xf32>
    %swap3A_113 = vector.shape_cast %add3A_107 : vector<256x128xf32> to vector<1x256x128xf32>
    tpu.vector_store %arg17[%swap3A_108, %swap3A_109, %swap3A_110], %swap3A_113 {strides = array<i32>} : memref<1x256x128xf32, #tpu.memory_space<vmem>>, vector<1x256x128xf32>,
    return
  }
  func.func @transform_0(%arg0: i32) -> (i32, i32, i32) {
    %c0_i32 = arith.constant 0 : i32
    %c0_i32_0 = arith.constant 0 : i32
    %c0_i32_1 = arith.constant 0 : i32
    return %arg0, %c0_i32, %c0_i32_0 : i32, i32, i32
  }
  func.func @transform_1(%arg0: i32) -> (i32, i32, i32) {
    %c0_i32 = arith.constant 0 : i32
    %c0_i32_0 = arith.constant 0 : i32
    %c0_i32_1 = arith.constant 0 : i32
    return %arg0, %c0_i32, %c0_i32_0 : i32, i32, i32
  }
  func.func @transform_2(%arg0: i32) -> (i32, i32, i32) {
    %c0_i32 = arith.constant 0 : i32
    %c0_i32_0 = arith.constant 0 : i32
    %c0_i32_1 = arith.constant 0 : i32
    return %arg0, %c0_i32, %c0_i32_0 : i32, i32, i32
  }
  func.func @transform_3(%arg0: i32) -> (i32, i32, i32) {
    %c0_i32 = arith.constant 0 : i32
    %c0_i32_0 = arith.constant 0 : i32
    %c0_i32_1 = arith.constant 0 : i32
    return %arg0, %c0_i32, %c0_i32_0 : i32, i32, i32
  }
  func.func @transform_4(%arg0: i32) -> (i32, i32, i32) {
    %c0_i32 = arith.constant 0 : i32
    %c0_i32_0 = arith.constant 0 : i32
    %c0_i32_1 = arith.constant 0 : i32
    return %arg0, %c0_i32, %c0_i32_0 : i32, i32, i32
  }
  func.func @transform_5(%arg0: i32) -> (i32, i32, i32) {
    %c0_i32 = arith.constant 0 : i32
    %c0_i32_0 = arith.constant 0 : i32
    %c0_i32_1 = arith.constant 0 : i32
    return %arg0, %c0_i32, %c0_i32_0 : i32, i32, i32
  }
  func.func @transform_6(%arg0: i32) -> (i32, i32) {
    %c0_i32 = arith.constant 0 : i32
    %c0_i32_0 = arith.constant 0 : i32
    %c0_i32_1 = arith.constant 0 : i32
    return %c0_i32, %c0_i32_0 : i32, i32
  }
  func.func @transform_7(%arg0: i32) -> (i32, i32) {
    %c0_i32 = arith.constant 0 : i32
    %c0_i32_0 = arith.constant 0 : i32
    %c0_i32_1 = arith.constant 0 : i32
    return %c0_i32, %c0_i32_0 : i32, i32
  }
  func.func @transform_8(%arg0: i32) -> (i32, i32) {
    %c0_i32 = arith.constant 0 : i32
    %c0_i32_0 = arith.constant 0 : i32
    %c0_i32_1 = arith.constant 0 : i32
    return %c0_i32, %c0_i32_0 : i32, i32
  }
  func.func @transform_9(%arg0: i32) -> (i32, i32) {
    %c0_i32 = arith.constant 0 : i32
    %c0_i32_0 = arith.constant 0 : i32
    %c0_i32_1 = arith.constant 0 : i32
    return %c0_i32, %c0_i32_0 : i32, i32
  }
  func.func @transform_10(%arg0: i32) -> (i32, i32) {
    %c0_i32 = arith.constant 0 : i32
    %c0_i32_0 = arith.constant 0 : i32
    %c0_i32_1 = arith.constant 0 : i32
    return %c0_i32, %c0_i32_0 : i32, i32
  }
  func.func @transform_11(%arg0: i32) -> (i32, i32) {
    %c0_i32 = arith.constant 0 : i32
    %c0_i32_0 = arith.constant 0 : i32
    %c0_i32_1 = arith.constant 0 : i32
    return %c0_i32, %c0_i32_0 : i32, i32
  }
  func.func @transform_12(%arg0: i32) -> (i32, i32) {
    %c0_i32 = arith.constant 0 : i32
    %c0_i32_0 = arith.constant 0 : i32
    %c0_i32_1 = arith.constant 0 : i32
    return %c0_i32, %c0_i32_0 : i32, i32
  }
  func.func @transform_13(%arg0: i32) -> (i32, i32) {
    %c0_i32 = arith.constant 0 : i32
    %c0_i32_0 = arith.constant 0 : i32
    %c0_i32_1 = arith.constant 0 : i32
    return %c0_i32, %c0_i32_0 : i32, i32
  }
  func.func @transform_14(%arg0: i32) -> (i32, i32) {
    %c0_i32 = arith.constant 0 : i32
    %c0_i32_0 = arith.constant 0 : i32
    %c0_i32_1 = arith.constant 0 : i32
    return %c0_i32, %c0_i32_0 : i32, i32
  }
  func.func @transform_15(%arg0: i32) -> (i32, i32, i32) {
    %c0_i32 = arith.constant 0 : i32
    %c0_i32_0 = arith.constant 0 : i32
    %c0_i32_1 = arith.constant 0 : i32
    return %arg0, %c0_i32, %c0_i32_0 : i32, i32, i32
  }
  func.func @transform_16(%arg0: i32) -> (i32, i32, i32) {
    %c0_i32 = arith.constant 0 : i32
    %c0_i32_0 = arith.constant 0 : i32
    %c0_i32_1 = arith.constant 0 : i32
    return %arg0, %c0_i32, %c0_i32_0 : i32, i32, i32
  }
}

</mosaic_0001>

<sc_bundles>
// kernel: kernel.5.cloned.1.call-start
scs
__scs_entry_jumppad:
0x0: {  	(pc) =	sbr.rel $0x88, $3  }
0x1: {  	(tag) =	ssettag $0x0;
	lr =	simm.s32 $0x1  }
0x2: {  	[smem:$0x3F90] =	sst lr;
	_ =	strace $0xD0000000  }
0x3: {  	_ = 	snop  }
0x4: {  	_ = 	snop  }
0x5: {  	_ = 	snop  }
0x6: {  	_ = 	snop  }
0x7: {  	_ = 	snop  }
__scs_overlays_trampoline_lowered:
0x8: {  	[smem:$0x3F9F] =	sst s0  }
0x9: {  	[smem:$0x3FA0] =	sst s1  }
0xa: {  	[smem:$0x3FA1] =	sst s2  }
0xb: {  	[smem:$0x3FA2] =	sst s3  }
0xc: {  	[smem:$0x3FA3] =	sst s4  }
0xd: {  	[smem:$0x3FA4] =	sst s5  }
0xe: {  	[smem:$0x3FA5] =	sst s6  }
0xf: {  	[smem:$0x3FA6] =	sst s7  }
0x10: {  	[smem:$0x3FA7] =	sst s8  }
0x11: {  	[smem:$0x3FA8] =	sst s9;
	s0 =	simm.s32 @!p0 $0x0  }
0x12: {  	s1 =	sld [smem:$0x3F8E];
	s0 =	simm.s32 @p0 $0x1  }
0x13: {  	[smem:$0x3FA9] =	sst s0;
	s0 =	simm.s32 @!p1 $0x0  }
0x14: {  	s2 =	sld [smem:$0x3F8D];
	s0 =	simm.s32 @p1 $0x1  }
0x15: {  	[smem:$0x3FAA] =	sst s0;
	s0 =	simm.s32 @!p2 $0x0  }
0x16: {  	s3 =	sld [smem:$0x3FDB];
	s0 =	simm.s32 @p2 $0x1  }
0x17: {  	s4 =	simm.s32 $0x1BF5;
	[smem:$0x3FAC] =	sst s0  }
0x18: {  	s0 =	sld [smem:$0x3F8F];
	_ =	swait.ge [sflag:s4], $0x0  }
0x19: {  	s7 =	sld [smem:$0x3F90]  }
0x1a: {  	s8 =	sadd.s32 $0xFFFFE003, lr  }
0x1b: {  	s9 =	sadd.s32 $0xFFFFFEF7, lr;
	s5 =	simm.s32 $0xFFFFFFFF;
	p2 =	slt.u32 s8, $0xFFFFF086  }
0x1c: {  	p1 =	slt.u32 s9, $0xF7A;
	s5 =	simm.s32 @!p2 $0x0  }
0x1d: {  	s5 =	simm.s32 @p1 $0x1;
	p0 =	seq.s32 s7, s2  }
0x1e: {  	s7 =	smul.u32 @!p0 $0xF7A, s2;
	p2 =	seq.s32 @!p0 s5, $0x0  }
0x1f: {  	s9 =	smul.u32 $0xF7A, s1;
	s8 =	simm.s32 @!p0 $0x1BF5;
	p2 =	por !p2, p0  }
0x20: {  	[sflag:s8] =	ssyncset.s32 @!p0 $0xFFFFF086;
	s6 =	sadd.s32 @!p0 s3, s7;
	s7 =	simm.s32 @!p0 $0x108  }
0x21: {  	s3 =	sadd.s32 s3, s9;
	s6 =	sadd.s32 @!p0 $0x88, s6;
	s7 =	simm.s32 @p2 $0x1082  }
0x22: {  	[simem:s7], [sflag:s8] =	dma.local @!p0 [hbm:s6], $0xF7A  }
0x23: {  	s9 =	sor.u32 $0xD0000000, s2;
	s6 =	simm.s32 $0x108;
	_ =	swait.ge @!p0 [sflag:s8], $0x0  }
0x24: {  	s3 =	sadd.s32 $0x88, s3;
	s6 =	simm.s32 @!p1 $0x1082;
	[sflag:s4] =	ssyncset.s32 $0xFFFFF086  }
0x25: {  	[simem:s6], [sflag:s4] =	dma.local [hbm:s3], $0xF7A  }
0x26: {  	[smem:$0x3F90] =	sst s1;
	(tag) =	ssettag s2;
	_ =	strace s9  }
0x27: {  	s1 =	sld [smem:$0x3FA0]  }
0x28: {  	s2 =	sld [smem:$0x3FA1]  }
0x29: {  	s4 =	sld [smem:$0x3FA3]  }
0x2a: {  	p0 =	seq.s32 s5, $0x0;
	s5 =	sld [smem:$0x3FA4]  }
0x2b: {  	s6 =	sld [smem:$0x3FA5]  }
0x2c: {  	s7 =	sld [smem:$0x3FA6]  }
0x2d: {  	s3 =	simm.s32 $0x108;
	s8 =	sld [smem:$0x3FA7]  }
0x2e: {  	s3 =	simm.s32 @!p0 $0x1082;
	s9 =	sld [smem:$0x3FA8]  }
0x2f: {  	lr =	sadd.s32 s0, s3;
	s0 =	sld [smem:$0x3F9F]  }
0x30: {  	s3 =	sld [smem:$0x3FA2]  }
0x31: {  	[smem:$0x3FAB] =	sst s10  }
0x32: {  	s10 =	sld [smem:$0x3FA9];
	_ =	sdelay $0x3  }
0x33: {  	p0 =	seq.s32 s10, $0x1;
	s10 =	sld [smem:$0x3FAB];
	_ =	sdelay $0x3  }
0x34: {  	[smem:$0x3FAB] =	sst s10  }
0x35: {  	s10 =	sld [smem:$0x3FAA];
	_ =	sdelay $0x3  }
0x36: {  	p1 =	seq.s32 s10, $0x1;
	s10 =	sld [smem:$0x3FAB];
	_ =	sdelay $0x3  }
0x37: {  	[smem:$0x3FAB] =	sst s10  }
0x38: {  	s10 =	sld [smem:$0x3FAC]  }
0x39: {  	_ = 	snop;
	(pc) =	sbr.ind lr, $3  }
0x3a: {  	_ = 	snop  }
0x3b: {  	_ = 	snop  }
0x3c: {  	p2 =	seq.s32 s10, $0x1;
	s10 =	sld [smem:$0x3FAB]  }
0x3d: {  	_ =	shalt  }
0x3e: {  	_ =	shalt  }
0x3f: {  	_ =	shalt  }
0x40: {  	_ =	shalt  }
0x41: {  	_ =	shalt  }
0x42: {  	_ =	shalt  }
0x43: {  	_ =	shalt  }
0x44: {  	_ =	shalt  }
0x45: {  	_ =	shalt  }
0x46: {  	_ =	shalt  }
0x47: {  	_ =	shalt  }
0x48: {  	_ =	shalt  }
0x49: {  	_ =	shalt  }
0x4a: {  	_ =	shalt  }
0x4b: {  	_ =	shalt  }
0x4c: {  	_ =	shalt  }
0x4d: {  	_ =	shalt  }
0x4e: {  	_ =	shalt  }
0x4f: {  	_ =	shalt  }
0x50: {  	_ =	shalt  }
0x51: {  	_ =	shalt  }
0x52: {  	_ =	shalt  }
0x53: {  	_ =	shalt  }
0x54: {  	_ =	shalt  }
0x55: {  	_ =	shalt  }
0x56: {  	_ =	shalt  }
0x57: {  	_ =	shalt  }
0x58: {  	_ =	shalt  }
0x59: {  	_ =	shalt  }
0x5a: {  	_ =	shalt  }
0x5b: {  	_ =	shalt  }
0x5c: {  	_ =	shalt  }
0x5d: {  	_ =	shalt  }
0x5e: {  	_ =	shalt  }
0x5f: {  	_ =	shalt  }
0x60: {  	_ =	shalt  }
0x61: {  	_ =	shalt  }
0x62: {  	_ =	shalt  }
0x63: {  	_ =	shalt  }
0x64: {  	_ =	shalt  }
0x65: {  	_ =	shalt  }
0x66: {  	_ =	shalt  }
0x67: {  	_ =	shalt  }
0x68: {  	_ =	shalt  }
0x69: {  	_ =	shalt  }
0x6a: {  	_ =	shalt  }
0x6b: {  	_ =	shalt  }
0x6c: {  	_ =	shalt  }
0x6d: {  	_ =	shalt  }
0x6e: {  	_ =	shalt  }
0x6f: {  	_ =	shalt  }
0x70: {  	_ =	shalt  }
0x71: {  	_ =	shalt  }
0x72: {  	_ =	shalt  }
0x73: {  	_ =	shalt  }
0x74: {  	_ =	shalt  }
0x75: {  	_ =	shalt  }
0x76: {  	_ =	shalt  }
0x77: {  	_ =	shalt  }
0x78: {  	_ =	shalt  }
0x79: {  	_ =	shalt  }
0x7a: {  	_ =	shalt  }
0x7b: {  	_ =	shalt  }
0x7c: {  	_ =	shalt  }
0x7d: {  	_ =	shalt  }
0x7e: {  	_ =	shalt  }
0x7f: {  	_ =	shalt  }
0x80: {  	_ =	shalt  }
0x81: {  	_ =	shalt  }
0x82: {  	_ =	shalt  }
0x83: {  	_ =	shalt  }
0x84: {  	_ =	shalt  }
0x85: {  	_ =	shalt  }
0x86: {  	_ =	shalt  }
0x87: {  	_ =	shalt  }
.Lfunc_end0:
.L_simem_size_0:
called_computation_lowered:
.L_overlay_start_0:
0x88: {  	s2 =	sld [smem:$0x3FD9]  }
0x89: {  	s3 =	sld [smem:$0x3FFE];
	_ =	sdelay $0x1  }
0x8a: {  	s1 =	srdreg.scid  }
0x8b: {  	s0 =	sand.u32 $0x1, s1  }
0x8c: {  	s14 =	sshll.u32 s0, $0xA;
	s2 =	sadd.s32 s3, s2  }
0x8d: {  	s2 =	sadd.s32 s2, s14  }
0x8e: {  	[smem:$0x3FB7] =	sst s2  }
0x8f: {  	_ = 	snop  }
0x90: {  	s2 =	sld [smem:$0x3FD0];
	_ =	sdelay $0x2  }
0x91: {  	s15 =	simm.s32 $0xA;
	s4 =	simm.s32 $0x10  }
0x92: {  	[smem:s4], [sflag:s15] =	dma.local [hbm:s2], $0x1  }
0x93: {  	_ =	swait.eq [sflag:s15], $0x1  }
0x94: {  	[sflag:s15] =	ssyncset.done $0x0  }
0x95: {  	s16 =	sld [smem:$0x10];
	[sflag:s15] =	ssyncadd.s32 $0xFFFFFFFF  }
0x96: {  	s17 =	sld [smem:$0x11];
	(tm) =	ssettm $0x1  }
0x97: {  	s18 =	sld [smem:$0x3FFB];
	_ =	sdelay $0x3  }
0x98: {  	_ =	strace s18  }
0x99: {  	s4 =	sld [smem:$0x3FFC];
	_ =	sdelay $0x3  }
0x9a: {  	_ =	strace s4  }
0x9b: {  	s4 =	sld [smem:$0x3FFD];
	_ =	sdelay $0x3  }
0x9c: {  	_ =	strace s4  }
0x9d: {  	_ =	strace $0x8FFFFFFF  }
0x9e: {  	s19 =	sld [smem:$0x3FDB];
	_ =	sdelay $0x1  }
0x9f: {  	s5 =	simm.s32 $_scs_section_size  }
0xa0: {  	s6 =	simm.s32 $_size__tile_overlayer_lowered;
	s7 =	simm.s32 $_tile_overlayer_lowered  }
0xa1: {  	s22 =	simm.s32 $0x1BFF;
	s21 =	sshll.u32 s7, $0x1;
	s4 =	sadd.s32 s5, s19  }
0xa2: {  	s8 =	simm.s32 $0x0;
	s20 =	sshll.u32 s6, $0x1;
	s6 =	sadd.s32 s21, s4  }
0xa3: {  	[timem:s8], [sflag:s22] =	dma.local [hbm:s6], s20  }
0xa4: {  	_ =	swait.ge [sflag:s22], s20  }
0xa5: {  	s5 =	ssub.s32 $0x0, s20;
	[sflag:s22] =	ssyncset.done $0x0  }
0xa6: {  	[sflag:s22] =	ssyncadd.s32 s5;
	_ =	sdelay $0x1  }
0xa7: {  	s23 =	simm.s32 $0x1B8B  }
0xa8: {  	_ =	swait.ge [sflag:s23], $0x1  }
0xa9: {  	[sflag:s23] =	ssyncset.done $0x0  }
0xaa: {  	s25 =	simm.s32 $0x1B8E;
	s24 =	sld [smem:$0x3FFE];
	[sflag:s23] =	ssyncadd.s32 $0xFFFFFFFF  }
0xab: {  	s26 =	simm.s32 $execute0_lowered;
	[smem:$0x3FD2] =	sst s25  }
0xac: {  	s6 =	sshll.u32 s26, $0x1;
	_ =	strace $0x80000046;
	[dreg:$0x1] =	wrdreg $0xFFFFFFFF  }
0xad: {  	s28 =	simm.s32 $_size_execute0_lowered;
	s4 =	sadd.s32 s4, s6;
	[dreg:$0x0] =	wrdreg $0x0  }
0xae: {  	s6 =	sshll.u32 s28, $0x1;
	[dreg:$0x2] =	wrdreg s4  }
0xaf: {  	[dreg:$0x3] =	wrdreg s6  }
0xb0: {  	[dreg:$0x4] =	wrdreg $0xC0  }
0xb1: {  	_ =	task [dreg:s8], $0x5FFFF  }
0xb2: {  	[dreg:$0x1] =	wrdreg $0xFFFFFFFF  }
0xb3: {  	[dreg:$0x0] =	wrdreg $0x60  }
0xb4: {  	[dreg:$0x2] =	wrdreg s24  }
0xb5: {  	[dreg:$0x3] =	wrdreg s17  }
0xb6: {  	[dreg:$0x4] =	wrdreg s16  }
0xb7: {  	[dreg:$0x5] =	wrdreg $0x9  }
0xb8: {  	_ =	task.clear_ibuf [dreg:s8], $0x6FFFF;
	_ =	strace $0x90000046  }
0xb9: {  	s29 =	simm.s32 $0x9;
	_ =	strace $0x80000048  }
0xba: {  	_ =	swait.ge [sflag:s29], $0x1  }
0xbb: {  	[sflag:s29] =	ssyncadd.s32 $0xFFFFFFFF  }
0xbc: {  	_ =	strace $0x90000048  }
0xbd: {  	_ =	sfence  }
0xbe: {  	s30 =	sld [smem:$0x0];
	_ =	sdelay $0x2  }
0xbf: {  	s31 =	sshll.u32 s1, $0xD;
	s1 =	sshrl.u32 s1, $0x2  }
0xc0: {  	s3 =	sand.u32 $0x4000, s31;
	s1 =	sadd.s32 s1, s30  }
0xc1: {  	s0 =	sor.u32 s3, s0;
	s1 =	sshll.u32 s1, $0x11  }
0xc2: {  	s0 =	sor.u32 s1, s0  }
0xc3: {  	s0 =	sadd.s32 $0x8F2B, s0  }
0xc4: {  	[sflag:s0] =	ssyncadd.remote.s32 $0x1  }
0xc5: {  	_ =	sfence.sel $0xFFFF  }
0xc6: {  	[dreg:$0x0] =	wrdreg $0xFFFFFFFF;
	(pc) =	sbr.abs _section_cstart, $3  }
0xc7: {  	[dreg:$0x1] =	wrdreg $0xFFFFFFFF  }
0xc8: {  	_ =	task.clear_ibuf [dreg:s8], $0x2FFFF;
	_ =	strace $0x9FFFFFFF  }
0xc9: {  	(tm) =	ssettm $0x7FFFFFFF  }
tec
execute0_lowered:
.L_overlay_start_1:
0x0: {  	(tag) =	ssettag $0x1  }
0x1: {  	s5 =	rddreg [dreg:$0x0]  }
0x2: {  	s2 =	rddreg [dreg:$0x1]  }
0x3: {  	s3 =	rddreg [dreg:$0x2];
	s4 =	srdreg.scid  }
0x4: {  	s0 =	rddreg [dreg:$0x3];
	s1 =	stileid.u32  }
0x5: {  	s12 =	simm.s32 $0x80;
	s13 =	simm.s32 $0x4080;
	s14 =	simm.s32 $0x8080  }
0x6: {  	s15 =	simm.s32 $0x1;
	s16 =	simm.s32 $0x2;
	s17 =	simm.s32 $0x3  }
0x7: {  	s18 =	simm.s32 $0x0;
	s6 =	sand.u32 $0x1, s4;
	s4 =	simm.s32 $0x0  }
0x8: {  	s7 =	sshll.u32 s1, $0xD;
	s30 =	sshll.u32 s1, $0x11;
	s8 =	sshll.u32 s6, $0xC  }
0x9: {  	[smem:$0x7FF] =	sst s4;
	s9 =	ssub.s32 $0x2, s6;
	s6 =	sshll.u32 s6, $0x10  }
0xa: {  	s7 =	sor.u32 s8, s7;
	_ =	strace $0x80000047;
	s8 =	sadd.s32 s30, s5  }
0xb: {  	s31 =	sshrl.u32 s9, $0x1;
	s7 =	sshrl.u32 s7, $0x3;
	s11 =	sadd.s32 s6, s8  }
0xc: {  	s10 =	sadd.s32 s7, s5;
	s5 =	sadd.s32 $0x3400, s5;
	s6 =	sadd.s32 $0x27400, s11  }
0xd: {  	s7 =	ssub.s32 s9, s31;
	s8 =	sadd.s32 $0x227400, s11;
	s9 =	sadd.s32 $0x427400, s11  }
0xe: {  	s11 =	simm.s32 $0x4;
	s7 =	smax.u32 s7, $0x1;
	s10 =	sadd.s32 $0x23400, s10  }
.LBB2_1:
0xf: {  	[tilespmem:s4], [sflag:$0x4] =	stream.linear.gather [hbm4b:s10+s4], $0x80, $0x38;
	[tilespmem:$0xC080] =	vst v63  }
0x10: {  	_ =	swait.ge [sflag:s11], $0x80  }
0x11: {  	[sflag:s11] =	ssyncset.done $0x0  }
0x12: {  	[sflag:s11] =	ssyncadd.s32 $0xFFFFFF80  }
0x13: {  	[tilespmem:s12], [sflag:$0x1] =	stream.indirect.gather [hbm4b:s2+s12], $0x80, s4, s12, $0xb8;
	[tilespmem:$0xC080] =	vst v63  }
0x14: {  	_ = 	snop  }
0x15: {  	[tilespmem:s13], [sflag:$0x2] =	stream.indirect.gather [hbm4b:s5+s12], $0x80, s4, s12, $0xb8;
	[tilespmem:$0xC080] =	vst v63  }
0x16: {  	_ = 	snop  }
0x17: {  	[tilespmem:s14], [sflag:$0x3] =	stream.indirect.gather [hbm4b:s3+s12], $0x80, s4, s12, $0xb8;
	[tilespmem:$0xC080] =	vst v63  }
0x18: {  	_ =	swait.ge [sflag:s15], $0x4000  }
0x19: {  	[sflag:s15] =	ssyncset.done $0x0  }
0x1a: {  	[sflag:s15] =	ssyncadd.s32 $0xFFFFC000  }
0x1b: {  	_ =	swait.ge [sflag:s16], $0x4000  }
0x1c: {  	[sflag:s16] =	ssyncset.done $0x0  }
0x1d: {  	[sflag:s16] =	ssyncadd.s32 $0xFFFFC000  }
0x1e: {  	_ =	swait.ge [sflag:s17], $0x4000  }
0x1f: {  	[sflag:s17] =	ssyncset.done $0x0  }
0x20: {  	s19 =	sadd.s32 $0x0, s6;
	[sflag:s17] =	ssyncadd.s32 $0xFFFFC000  }
0x21: {  	[hbm4b:s19+s4] =	stream.linear.scatter [tilespmem:s12], [sflag:$0x4], $0x4000, $0x38;
	[tilespmem:$0xC080] =	vst v63  }
0x22: {  	_ =	swait.ge [sflag:s11], $0x4000  }
0x23: {  	[sflag:s11] =	ssyncset.done $0x0  }
0x24: {  	s30 =	sadd.s32 $0x0, s8;
	[sflag:s11] =	ssyncadd.s32 $0xFFFFC000  }
0x25: {  	[hbm4b:s30+s4] =	stream.linear.scatter [tilespmem:s13], [sflag:$0x4], $0x4000, $0x38;
	[tilespmem:$0xC080] =	vst v63  }
0x26: {  	_ =	swait.ge [sflag:s11], $0x4000  }
0x27: {  	[sflag:s11] =	ssyncset.done $0x0  }
0x28: {  	s31 =	sadd.s32 $0x0, s9;
	[sflag:s11] =	ssyncadd.s32 $0xFFFFC000  }
0x29: {  	[hbm4b:s31+s4] =	stream.linear.scatter [tilespmem:s14], [sflag:$0x4], $0x4000, $0x38;
	[tilespmem:$0xC080] =	vst v63  }
0x2a: {  	_ =	swait.ge [sflag:s11], $0x4000  }
0x2b: {  	s20 =	smov.u32 s10;
	s19 =	simm.s32 $0x800;
	[sflag:s11] =	ssyncset.done $0x0  }
.LBB2_2:
0x2c: {  	p0 =	sne.s32 s19, $0xF800;
	[sflag:s11] =	ssyncadd.s32 $0xFFFFC000;
	s20 =	sadd.s32 $0x10, s20  }
0x2d: {  	[tilespmem:s4], [sflag:$0x4] =	stream.linear.gather [hbm4b:s20+s4], $0x80, $0x38;
	[tilespmem:$0xC080] =	vst v63  }
0x2e: {  	s21 =	smov.u32 s19;
	s19 =	sadd.s32 $0x800, s19;
	_ =	swait.ge [sflag:s11], $0x80  }
0x2f: {  	[sflag:s11] =	ssyncset.done $0x0  }
0x30: {  	[sflag:s11] =	ssyncadd.s32 $0xFFFFFF80  }
0x31: {  	[tilespmem:s12], [sflag:$0x1] =	stream.indirect.gather [hbm4b:s2+s12], $0x80, s4, s12, $0xb8;
	[tilespmem:$0xC080] =	vst v63  }
0x32: {  	_ = 	snop  }
0x33: {  	[tilespmem:s13], [sflag:$0x2] =	stream.indirect.gather [hbm4b:s5+s12], $0x80, s4, s12, $0xb8;
	[tilespmem:$0xC080] =	vst v63  }
0x34: {  	_ = 	snop  }
0x35: {  	[tilespmem:s14], [sflag:$0x3] =	stream.indirect.gather [hbm4b:s3+s12], $0x80, s4, s12, $0xb8;
	[tilespmem:$0xC080] =	vst v63  }
0x36: {  	_ =	swait.ge [sflag:s15], $0x4000  }
0x37: {  	[sflag:s15] =	ssyncset.done $0x0  }
0x38: {  	[sflag:s15] =	ssyncadd.s32 $0xFFFFC000  }
0x39: {  	_ =	swait.ge [sflag:s16], $0x4000  }
0x3a: {  	[sflag:s16] =	ssyncset.done $0x0  }
0x3b: {  	[sflag:s16] =	ssyncadd.s32 $0xFFFFC000  }
0x3c: {  	_ =	swait.ge [sflag:s17], $0x4000  }
0x3d: {  	[sflag:s17] =	ssyncset.done $0x0  }
0x3e: {  	s22 =	sadd.s32 s21, s6;
	[sflag:s17] =	ssyncadd.s32 $0xFFFFC000  }
0x3f: {  	[hbm4b:s22+s4] =	stream.linear.scatter [tilespmem:s12], [sflag:$0x4], $0x4000, $0x38;
	[tilespmem:$0xC080] =	vst v63  }
0x40: {  	_ =	swait.ge [sflag:s11], $0x4000  }
0x41: {  	[sflag:s11] =	ssyncset.done $0x0  }
0x42: {  	s22 =	sadd.s32 s21, s8;
	[sflag:s11] =	ssyncadd.s32 $0xFFFFC000  }
0x43: {  	[hbm4b:s22+s4] =	stream.linear.scatter [tilespmem:s13], [sflag:$0x4], $0x4000, $0x38;
	[tilespmem:$0xC080] =	vst v63  }
0x44: {  	_ =	swait.ge [sflag:s11], $0x4000  }
.Ltmp0:
0x45: {  	[sflag:s11] =	ssyncset.done $0x0;
	(pc) =	sbr.rel @p0 .LBB2_2-.Ltmp0, $4  }
0x46: {  	s21 =	sadd.s32 s21, s9;
	[sflag:s11] =	ssyncadd.s32 $0xFFFFC000  }
0x47: {  	[hbm4b:s21+s4] =	stream.linear.scatter [tilespmem:s14], [sflag:$0x4], $0x4000, $0x38;
	[tilespmem:$0xC080] =	vst v63  }
0x48: {  	_ =	swait.ge [sflag:s11], $0x4000  }
0x49: {  	[sflag:s11] =	ssyncset.done $0x0  }
0x4a: {  	s18 =	sadd.s32 $0x1, s18  }
0x4b: {  	p0 =	sne.s32 s18, s7  }
.Ltmp1:
0x4c: {  	_ = 	snop;
	(pc) =	sbr.rel @p0 .LBB2_1-.Ltmp1, $2  }
0x4d: {  	_ =	sdelay $0x2  }
0x4e: {  	[sflag:s11] =	ssyncadd.s32 $0xFFFFC000  }
0x4f: {  	_ =	sfence.sel $0x180000  }
0x50: {  	[bflag:$0x0] =	sbarrier.arrive $0xFFFF  }
0x51: {  	p0 =	sne.s32 s1, $0x0;
	_ =	strace $0x90000047  }
0x52: {  	s0 =	sadd.s32 @!p0 $0x100000, s0;
	[bflag:$0x2] =	sbarrier.arrive $0xFFFF  }
0x53: {  	[sflag:s0] =	ssyncadd.tile.s32 @!p0 $0x1;
	_ =	shalt  }
.Lfunc_end2:
_tile_overlayer_lowered:
.L_overlay_start_2:
0x54: {  	(tag) =	ssettag $0x2  }
0x55: {  	s0 =	rddreg [dreg:$0x0];
	s2 =	stileid.u32  }
0x56: {  	s1 =	rddreg [dreg:$0x1];
	p0 =	sne.s32 s2, $0x0  }
0x57: {  	s3 =	rddreg [dreg:$0x2];
	[bflag:$0x3] =	sbarrier.arrive $0xFFFF;
	s2 =	simm.s32 @!p0 $0x1C04  }
0x58: {  	[timem:s3], [sflag:s2] =	dma.local @!p0 [hbm:s0], s1  }
0x59: {  	s0 =	simm.s32 @!p0 $0x4  }
0x5a: {  	_ =	swait.ge @!p0 [sflag:s0], s1  }
0x5b: {  	s1 =	ssub.s32 @!p0 $0x0, s1;
	[sflag:s0] =	ssyncset.done @!p0 $0x0  }
0x5c: {  	[sflag:s0] =	ssyncadd.s32 @!p0 s1  }
0x5d: {  	[bflag:$0x3] =	sbarrier.arrive $0xFFFF  }
0x5e: {  	_ =	shalt  }

</sc_bundles>
